<compile_context>
chip_gen: v7x
topology: tpu7x:2x2x1
jax: 0.10.2.dev20260603
libtpu: 0.0.44.dev20260713+nightly
codegen_flags: <defaults>
</compile_context>

<pallas_src>
import functools

import jax
import jax.numpy as jnp
from jax import lax
from jax.experimental import pallas as pl
from jax.experimental.pallas import tpu as pltpu
from jax.experimental.pallas import tpu_sc as plsc

NC = 2
NS = 16
NW = NC * NS
CHUNK = 128
STRIPE = 640
NPAD = NS * STRIPE


def _sc_mesh():
    return plsc.VectorSubcoreMesh(core_axis_name="c", subcore_axis_name="s")


@functools.lru_cache(maxsize=None)
def _make_deg(nchunks):
    @functools.partial(
        pl.kernel,
        mesh=_sc_mesh(),
        out_type=jax.ShapeDtypeStruct((NC * NPAD,), jnp.float32),
        scratch_types=[
            pltpu.VMEM((nchunks, CHUNK), jnp.int32),
            pltpu.VMEM((CHUNK,), jnp.float32),
            pltpu.VMEM_SHARED((NPAD,), jnp.float32),
            pltpu.SemaphoreType.DMA,
        ],
    )
    def deg_kernel(dst_hbm, zeros_hbm, ones_hbm, out_hbm, idx_v, ones_v,
                   acc_sh, sem):
        cid = lax.axis_index("c")
        sid = lax.axis_index("s")
        wid = cid * NS + sid
        pltpu.sync_copy(zeros_hbm, acc_sh.at[pl.ds(sid * STRIPE, STRIPE)])
        pltpu.sync_copy(dst_hbm.at[wid], idx_v)
        pltpu.sync_copy(ones_hbm, ones_v)
        plsc.subcore_barrier()

        def fire(c, carry):
            pltpu.async_copy(ones_v, acc_sh.at[idx_v.at[c]], sem, add=True)
            return carry

        lax.fori_loop(0, nchunks, fire, 0)

        def drain(c, carry):
            pltpu.make_async_copy(ones_v, acc_sh.at[idx_v.at[c]], sem).wait()
            return carry

        lax.fori_loop(0, nchunks, drain, 0)
        plsc.subcore_barrier()
        pltpu.sync_copy(acc_sh.at[pl.ds(sid * STRIPE, STRIPE)],
                        out_hbm.at[pl.ds(cid * NPAD + sid * STRIPE, STRIPE)])

    return deg_kernel


@functools.lru_cache(maxsize=None)
def _make_scatter(nchunks, D):
    half = nchunks // 2

    @functools.partial(
        pl.kernel,
        mesh=_sc_mesh(),
        out_type=jax.ShapeDtypeStruct((NC * NPAD, D), jnp.float32),
        compiler_params=(None if D % 128 == 0 else
                         pltpu.CompilerParams(use_tc_tiling_on_sc=False)),
        scratch_types=[
            pltpu.VMEM((nchunks // 2, CHUNK), jnp.int32),
            pltpu.VMEM((nchunks // 2, CHUNK), jnp.int32),
            pltpu.VMEM((CHUNK, D), jnp.float32),
            pltpu.VMEM((CHUNK, D), jnp.float32),
            pltpu.VMEM_SHARED((NPAD, D), jnp.float32),
            pltpu.SemaphoreType.DMA,
            pltpu.SemaphoreType.DMA,
        ],
    )
    def scatter_kernel(vals_hbm, src_hbm, dst_hbm, zeros_hbm, out_hbm,
                       sidx_v, didx_v, rows0, rows1, acc_sh, sem0, sem1):
        cid = lax.axis_index("c")
        sid = lax.axis_index("s")
        wid = cid * NS + sid
        pltpu.sync_copy(zeros_hbm, acc_sh.at[pl.ds(sid * STRIPE, STRIPE)])
        plsc.subcore_barrier()

        for h in range(2):
            pltpu.sync_copy(src_hbm.at[wid, pl.ds(h * half, half)], sidx_v)
            pltpu.sync_copy(dst_hbm.at[wid, pl.ds(h * half, half)], didx_v)
            pltpu.async_copy(vals_hbm.at[sidx_v.at[0]], rows0, sem0)

            def body(j, carry):
                c0 = 2 * j
                c1 = c0 + 1
                c2 = c0 + 2
                pltpu.async_copy(vals_hbm.at[sidx_v.at[c1]], rows1, sem1)
                pltpu.make_async_copy(
                    vals_hbm.at[sidx_v.at[c0]], rows0, sem0).wait()
                pltpu.sync_copy(rows0, acc_sh.at[didx_v.at[c0]], add=True)

                @pl.when(c2 < half)
                def _():
                    pltpu.async_copy(vals_hbm.at[sidx_v.at[c2]], rows0, sem0)

                pltpu.make_async_copy(
                    vals_hbm.at[sidx_v.at[c1]], rows1, sem1).wait()
                pltpu.sync_copy(rows1, acc_sh.at[didx_v.at[c1]], add=True)
                return carry

            lax.fori_loop(0, half // 2, body, 0)

        plsc.subcore_barrier()
        pltpu.sync_copy(acc_sh.at[pl.ds(sid * STRIPE, STRIPE)],
                        out_hbm.at[pl.ds(cid * NPAD + sid * STRIPE, STRIPE)])

    return scatter_kernel


def _tc_prep(d0, d1, x):
    N, Din = x.shape
    R = 1000
    grid = N // R

    def body(d0_ref, d1_ref, x_ref, dinv_ref, x1_ref):
        deg = d0_ref[...] + d1_ref[...] + 1.0
        dinv = lax.rsqrt(deg)
        dinv_ref[...] = dinv
        x1_ref[...] = x_ref[...] * dinv

    return pl.pallas_call(
        body,
        grid=(grid,),
        in_specs=[
            pl.BlockSpec((R, 1), lambda i: (i, 0)),
            pl.BlockSpec((R, 1), lambda i: (i, 0)),
            pl.BlockSpec((R, Din), lambda i: (i, 0)),
        ],
        out_specs=[
            pl.BlockSpec((R, 1), lambda i: (i, 0)),
            pl.BlockSpec((R, Din), lambda i: (i, 0)),
        ],
        out_shape=[
            jax.ShapeDtypeStruct((N, 1), jnp.float32),
            jax.ShapeDtypeStruct((N, Din), jnp.float32),
        ],
    )(d0, d1, x)


def _tc_mid(p0, p1, dinv, x, W1, b1, W2):
    N, Din = x.shape
    Dh = W1.shape[1]
    Do = W2.shape[1]
    R = 1000
    grid = N // R

    def body(p0_ref, p1_ref, dinv_ref, x_ref, w1_ref, b1_ref, w2_ref,
             h2_ref, x2_ref):
        dinv = dinv_ref[...]
        agg = dinv * (p0_ref[...] + p1_ref[...] + dinv * x_ref[...])
        h = jnp.dot(agg, w1_ref[...], preferred_element_type=jnp.float32)
        h = jnp.maximum(h + b1_ref[...], 0.0)
        h2 = jnp.dot(h, w2_ref[...], preferred_element_type=jnp.float32)
        h2_ref[...] = h2
        x2_ref[...] = h2 * dinv

    return pl.pallas_call(
        body,
        grid=(grid,),
        in_specs=[
            pl.BlockSpec((R, Din), lambda i: (i, 0)),
            pl.BlockSpec((R, Din), lambda i: (i, 0)),
            pl.BlockSpec((R, 1), lambda i: (i, 0)),
            pl.BlockSpec((R, Din), lambda i: (i, 0)),
            pl.BlockSpec((Din, Dh), lambda i: (0, 0)),
            pl.BlockSpec((1, Dh), lambda i: (0, 0)),
            pl.BlockSpec((Dh, Do), lambda i: (0, 0)),
        ],
        out_specs=[
            pl.BlockSpec((R, Do), lambda i: (i, 0)),
            pl.BlockSpec((R, Do), lambda i: (i, 0)),
        ],
        out_shape=[
            jax.ShapeDtypeStruct((N, Do), jnp.float32),
            jax.ShapeDtypeStruct((N, Do), jnp.float32),
        ],
    )(p0, p1, dinv, x, W1, b1, W2)


def _tc_final(q0, q1, dinv, h2, b2):
    N, Do = h2.shape
    R = 1000
    grid = N // R

    def body(q0_ref, q1_ref, dinv_ref, h2_ref, b2_ref, out_ref):
        dinv = dinv_ref[...]
        a = dinv * (q0_ref[...] + q1_ref[...] + dinv * h2_ref[...]) + b2_ref[...]
        m = jnp.max(a, axis=1, keepdims=True)
        ex = jnp.exp(a - m)
        lse = jnp.log(jnp.sum(ex, axis=1, keepdims=True))
        out_ref[...] = a - m - lse

    return pl.pallas_call(
        body,
        grid=(grid,),
        in_specs=[
            pl.BlockSpec((R, Do), lambda i: (i, 0)),
            pl.BlockSpec((R, Do), lambda i: (i, 0)),
            pl.BlockSpec((R, 1), lambda i: (i, 0)),
            pl.BlockSpec((R, Do), lambda i: (i, 0)),
            pl.BlockSpec((1, Do), lambda i: (0, 0)),
        ],
        out_specs=pl.BlockSpec((R, Do), lambda i: (i, 0)),
        out_shape=jax.ShapeDtypeStruct((N, Do), jnp.float32),
    )(q0, q1, dinv, h2, b2)


def kernel(x, edge_index, W1, b1, W2, b2):
    N, Din = x.shape
    Do = W2.shape[1]
    E = edge_index.shape[1]
    src = edge_index[0].astype(jnp.int32)
    dst = edge_index[1].astype(jnp.int32)
    epad = (-E) % (NW * CHUNK * 2)
    if epad:
        src = jnp.concatenate([src, jnp.zeros((epad,), jnp.int32)])
        dst = jnp.concatenate([dst, jnp.full((epad,), NPAD - 1, jnp.int32)])
    nchunks = (E + epad) // (NW * CHUNK)
    src3 = src.reshape(NW, nchunks, CHUNK)
    dst3 = dst.reshape(NW, nchunks, CHUNK)

    degp = _make_deg(nchunks)(
        dst3,
        jnp.zeros((STRIPE,), jnp.float32),
        jnp.ones((CHUNK,), jnp.float32),
    )
    d0 = degp[:N, None]
    d1 = degp[NPAD:NPAD + N, None]
    dinv, x1 = _tc_prep(d0, d1, x)

    p = _make_scatter(nchunks, Din)(
        x1, src3, dst3, jnp.zeros((STRIPE, Din), jnp.float32))
    h2, x2 = _tc_mid(p[:N], p[NPAD:NPAD + N], dinv, x, W1,
                     b1.reshape(1, -1), W2)

    q = _make_scatter(nchunks, Do)(
        x2, src3, dst3, jnp.zeros((STRIPE, Do), jnp.float32))
    return _tc_final(q[:N], q[NPAD:NPAD + N], dinv, h2, b2.reshape(1, -1))

# --- scband reference (transcript-rebuilt; emitter-appended) ---
"""Pipeline reference for scband-base-net-49100066128294 (READ-ONLY COPY).

The authoritative reference and input builder live on the scoring server;
editing this copy changes nothing except your own understanding.
"""

import jax, jax.numpy as jnp
import numpy as np

N_NODES = 10000
N_EDGES = 320000
D_IN = 128
D_HID = 256
D_OUT = 64


def setup_inputs(seed: int = 0) -> dict:
    key = jax.random.key(seed)
    k1, k2, k3, k4, k5, k6 = jax.random.split(key, 6)
    x = jax.random.normal(k1, (N_NODES, D_IN), dtype=jnp.float32)
    edge_index = jax.random.randint(k2, (2, N_EDGES), 0, N_NODES, dtype=jnp.int64)
    # Glorot-style init for GCN weights
    W1 = jax.random.normal(k3, (D_IN, D_HID), dtype=jnp.float32) * (1.0 / np.sqrt(D_IN))
    b1 = jnp.zeros((D_HID,), dtype=jnp.float32)
    W2 = jax.random.normal(k4, (D_HID, D_OUT), dtype=jnp.float32) * (1.0 / np.sqrt(D_HID))
    b2 = jnp.zeros((D_OUT,), dtype=jnp.float32)
    return {"x": x, "edge_index": edge_index, "W1": W1, "b1": b1, "W2": W2, "b2": b2}


def _gcn_conv(x, src, dst, W, b, num_nodes):
    # linear transform
    h = x @ W
    # add self loops
    loop = jnp.arange(num_nodes, dtype=src.dtype)
    src2 = jnp.concatenate([src, loop])
    dst2 = jnp.concatenate([dst, loop])
    # symmetric normalization: D^{-1/2} A_hat D^{-1/2}
    deg = jnp.zeros((num_nodes,), dtype=h.dtype).at[dst2].add(1.0)
    dinv = jax.lax.rsqrt(deg)  # deg >= 1 due to self loops
    norm = dinv[src2] * dinv[dst2]
    msgs = jnp.take(h, src2, axis=0) * norm[:, None]
    out = jax.ops.segment_sum(msgs, dst2, num_segments=num_nodes)
    return out + b


def reference(x, edge_index, W1, b1, W2, b2):
    src = edge_index[0]
    dst = edge_index[1]
    h = _gcn_conv(x, src, dst, W1, b1, N_NODES)
    h = jax.nn.relu(h)
    # dropout is identity in eval mode (training=False)
    h = _gcn_conv(h, src, dst, W2, b2, N_NODES)
    return jax.nn.log_softmax(h, axis=1)

if __name__ == "__main__":
    import jax
    _d = setup_inputs()
    print(jax.jit(kernel)(*tuple(_d.values())))

</pallas_src>

<mosaic_0001>
#map = affine_map<(d0, d1) -> (0, 0, 0)>
#map1 = affine_map<(d0, d1) -> (0)>
module attributes {stable_mosaic.version = 14 : i64} {
  func.func @deg_kernel(%arg0: i32, %arg1: i32, %arg2: memref<32x80x128xi32, #tpu.memory_space<hbm>>, %arg3: memref<640xf32, #tpu.memory_space<hbm>>, %arg4: memref<128xf32, #tpu.memory_space<hbm>>, %arg5: memref<20480xf32, #tpu.memory_space<hbm>>, %arg6: memref<80x128xi32, #tpu.memory_space<vmem>>, %arg7: memref<128xf32, #tpu.memory_space<vmem>>, %arg8: memref<10240xf32, #tpu.memory_space<vmem_shared>>, %arg9: memref<!tpu.dma_semaphore, #tpu.memory_space<semaphore_mem>>) attributes {dimension_semantics = [#tpu.dimension_semantics<core_parallel>, #tpu.dimension_semantics<subcore_parallel>], iteration_bounds = array<i64: 2, 16>, scalar_prefetch = 0 : i64, scratch_operands = 4 : i64, tpu.core_type = #tpu.core_type<sc_vector_subcore>, window_params = [{transform_indices = #map}, {transform_indices = #map1}, {transform_indices = #map1}, {transform_indices = #map1}]} {
    %mul3A = arith.constant 16 : i32
    %mul3A_0 = arith.muli %arg0, %mul3A : i32
    %add3A = arith.addi %mul3A_0, %arg1 : i32
    %mul3A_1 = arith.constant 640 : i32
    %mul3A_2 = arith.muli %arg1, %mul3A_1 : i32
    "tpu.region"() ({
      %run_scoped3A = tpu.sem_alloc : memref<!tpu.dma_semaphore, #tpu.memory_space<semaphore_mem>>
      %dma_start3A = tpu.memref_slice %arg8[%mul3A_2] : memref<10240xf32, #tpu.memory_space<vmem_shared>> -> memref<640xf32, #tpu.memory_space<vmem_shared>>
      tpu.enqueue_dma source(%arg3 : memref<640xf32, #tpu.memory_space<hbm>>) target(%dma_start3A : memref<640xf32, #tpu.memory_space<vmem_shared>>) target_semaphore(%run_scoped3A : memref<!tpu.dma_semaphore, #tpu.memory_space<semaphore_mem>>)
      %dma_wait3A = tpu.memref_slice %arg8[%mul3A_2] : memref<10240xf32, #tpu.memory_space<vmem_shared>> -> memref<640xf32, #tpu.memory_space<vmem_shared>>
      tpu.wait_dma2 semaphore(%run_scoped3A : memref<!tpu.dma_semaphore, #tpu.memory_space<semaphore_mem>>) src(%arg3 : memref<640xf32, #tpu.memory_space<hbm>>) dst(%dma_wait3A : memref<640xf32, #tpu.memory_space<vmem_shared>>)
      tpu.yield
    }) : () -> ()
    "tpu.region"() ({
      %run_scoped3A = tpu.sem_alloc : memref<!tpu.dma_semaphore, #tpu.memory_space<semaphore_mem>>
      %dma_start3A = arith.constant 0 : i32
      %dma_start3A_22 = arith.constant 0 : i32
      %dma_start3A_23 = tpu.memref_slice %arg2[%add3A, %dma_start3A, %dma_start3A_22] : memref<32x80x128xi32, #tpu.memory_space<hbm>> -> memref<1x80x128xi32, #tpu.memory_space<hbm>>
      %dma_start3A_24 = tpu.memref_squeeze %dma_start3A_23 : memref<1x80x128xi32, #tpu.memory_space<hbm>> -> memref<80x128xi32, #tpu.memory_space<hbm>>
      %dma_start3A_25 = arith.constant 0 : i32
      %dma_start3A_26 = arith.constant 0 : i32
      %dma_start3A_27 = tpu.memref_slice %arg2[%add3A, %dma_start3A_25, %dma_start3A_26] : memref<32x80x128xi32, #tpu.memory_space<hbm>> -> memref<1x80x128xi32, #tpu.memory_space<hbm>>
      %dma_start3A_28 = tpu.memref_squeeze %dma_start3A_27 : memref<1x80x128xi32, #tpu.memory_space<hbm>> -> memref<80x128xi32, #tpu.memory_space<hbm>>
      tpu.enqueue_dma source(%dma_start3A_28 : memref<80x128xi32, #tpu.memory_space<hbm>>) target(%arg6 : memref<80x128xi32, #tpu.memory_space<vmem>>) target_semaphore(%run_scoped3A : memref<!tpu.dma_semaphore, #tpu.memory_space<semaphore_mem>>)
      %dma_wait3A = arith.constant 0 : i32
      %dma_wait3A_29 = arith.constant 0 : i32
      %dma_wait3A_30 = tpu.memref_slice %arg2[%add3A, %dma_wait3A, %dma_wait3A_29] : memref<32x80x128xi32, #tpu.memory_space<hbm>> -> memref<1x80x128xi32, #tpu.memory_space<hbm>>
      %dma_wait3A_31 = tpu.memref_squeeze %dma_wait3A_30 : memref<1x80x128xi32, #tpu.memory_space<hbm>> -> memref<80x128xi32, #tpu.memory_space<hbm>>
      %dma_wait3A_32 = arith.constant 0 : i32
      %dma_wait3A_33 = arith.constant 0 : i32
      %dma_wait3A_34 = tpu.memref_slice %arg2[%add3A, %dma_wait3A_32, %dma_wait3A_33] : memref<32x80x128xi32, #tpu.memory_space<hbm>> -> memref<1x80x128xi32, #tpu.memory_space<hbm>>
      %dma_wait3A_35 = tpu.memref_squeeze %dma_wait3A_34 : memref<1x80x128xi32, #tpu.memory_space<hbm>> -> memref<80x128xi32, #tpu.memory_space<hbm>>
      tpu.wait_dma2 semaphore(%run_scoped3A : memref<!tpu.dma_semaphore, #tpu.memory_space<semaphore_mem>>) src(%dma_wait3A_35 : memref<80x128xi32, #tpu.memory_space<hbm>>) dst(%arg6 : memref<80x128xi32, #tpu.memory_space<vmem>>)
      tpu.yield
    }) : () -> ()
    "tpu.region"() ({
      %run_scoped3A = tpu.sem_alloc : memref<!tpu.dma_semaphore, #tpu.memory_space<semaphore_mem>>
      tpu.enqueue_dma source(%arg4 : memref<128xf32, #tpu.memory_space<hbm>>) target(%arg7 : memref<128xf32, #tpu.memory_space<vmem>>) target_semaphore(%run_scoped3A : memref<!tpu.dma_semaphore, #tpu.memory_space<semaphore_mem>>)
      tpu.wait_dma2 semaphore(%run_scoped3A : memref<!tpu.dma_semaphore, #tpu.memory_space<semaphore_mem>>) src(%arg4 : memref<128xf32, #tpu.memory_space<hbm>>) dst(%arg7 : memref<128xf32, #tpu.memory_space<vmem>>)
      tpu.yield
    }) : () -> ()
    %barrier3A = arith.constant 0 : index
    tpu.barrier barrier_id(%barrier3A)
    %scan3A = arith.constant 0 : i32
    %scan3A_3 = arith.constant 0 : i32
    %scan3A_4 = arith.constant 80 : i32
    %scan3A_5 = arith.addi %scan3A_3, %scan3A_4 : i32
    %scan3A_6 = arith.constant 1 : i32
    scf.for %scan3A_22 = %scan3A_3 to %scan3A_5 step %scan3A_6  : i32 {
      %dma_start3A = arith.constant 0 : i32
      %dma_start3A_23 = tpu.memref_slice %arg6[%scan3A_22, %dma_start3A] : memref<80x128xi32, #tpu.memory_space<vmem>> -> memref<1x128xi32, #tpu.memory_space<vmem>>
      %dma_start3A_24 = tpu.memref_squeeze %dma_start3A_23 : memref<1x128xi32, #tpu.memory_space<vmem>> -> memref<128xi32, #tpu.memory_space<vmem>>
      %dma_start3A_25 = arith.constant 0 : i32
      %dma_start3A_26 = tpu.memref_slice %arg8[%dma_start3A_25] : memref<10240xf32, #tpu.memory_space<vmem_shared>> -> memref<10240xf32, #tpu.memory_space<vmem_shared>>
      tpu.enqueue_indirect_dma source(%arg7 : memref<128xf32, #tpu.memory_space<vmem>>) target(%dma_start3A_26 : memref<10240xf32, #tpu.memory_space<vmem_shared>>) offsets(%dma_start3A_24 : memref<128xi32, #tpu.memory_space<vmem>>) semaphore(%arg9 : memref<!tpu.dma_semaphore, #tpu.memory_space<semaphore_mem>>) {add = true}
    }
    %scan3A_7 = arith.constant 80 : i32
    %scan3A_8 = arith.constant 0 : i32
    %scan3A_9 = arith.constant 0 : i32
    %scan3A_10 = arith.constant 80 : i32
    %scan3A_11 = arith.addi %scan3A_9, %scan3A_10 : i32
    %scan3A_12 = arith.constant 1 : i32
    scf.for %scan3A_22 = %scan3A_9 to %scan3A_11 step %scan3A_12  : i32 {
      %dma_wait3A = arith.constant 0 : i32
      %dma_wait3A_23 = tpu.memref_slice %arg6[%scan3A_22, %dma_wait3A] : memref<80x128xi32, #tpu.memory_space<vmem>> -> memref<1x128xi32, #tpu.memory_space<vmem>>
      %dma_wait3A_24 = tpu.memref_squeeze %dma_wait3A_23 : memref<1x128xi32, #tpu.memory_space<vmem>> -> memref<128xi32, #tpu.memory_space<vmem>>
      %dma_wait3A_25 = arith.constant 0 : i32
      %dma_wait3A_26 = tpu.memref_slice %arg8[%dma_wait3A_25] : memref<10240xf32, #tpu.memory_space<vmem_shared>> -> memref<10240xf32, #tpu.memory_space<vmem_shared>>
      tpu.wait_indirect_dma semaphore(%arg9 : memref<!tpu.dma_semaphore, #tpu.memory_space<semaphore_mem>>) src(%arg7 : memref<128xf32, #tpu.memory_space<vmem>>) dst(%dma_wait3A_26 : memref<10240xf32, #tpu.memory_space<vmem_shared>>)
    }
    %scan3A_13 = arith.constant 80 : i32
    %barrier3A_14 = arith.constant 0 : index
    tpu.barrier barrier_id(%barrier3A_14)
    %mul3A_15 = arith.constant 640 : i32
    %mul3A_16 = arith.muli %arg1, %mul3A_15 : i32
    %mul3A_17 = arith.constant 10240 : i32
    %mul3A_18 = arith.muli %arg0, %mul3A_17 : i32
    %mul3A_19 = arith.constant 640 : i32
    %mul3A_20 = arith.muli %arg1, %mul3A_19 : i32
    %add3A_21 = arith.addi %mul3A_18, %mul3A_20 : i32
    "tpu.region"() ({
      %run_scoped3A = tpu.sem_alloc : memref<!tpu.dma_semaphore, #tpu.memory_space<semaphore_mem>>
      %dma_start3A = tpu.memref_slice %arg5[%add3A_21] : memref<20480xf32, #tpu.memory_space<hbm>> -> memref<640xf32, #tpu.memory_space<hbm>>
      %dma_start3A_22 = tpu.memref_slice %arg8[%mul3A_16] : memref<10240xf32, #tpu.memory_space<vmem_shared>> -> memref<640xf32, #tpu.memory_space<vmem_shared>>
      tpu.enqueue_dma source(%dma_start3A_22 : memref<640xf32, #tpu.memory_space<vmem_shared>>) target(%dma_start3A : memref<640xf32, #tpu.memory_space<hbm>>) target_semaphore(%run_scoped3A : memref<!tpu.dma_semaphore, #tpu.memory_space<semaphore_mem>>)
      %dma_wait3A = tpu.memref_slice %arg5[%add3A_21] : memref<20480xf32, #tpu.memory_space<hbm>> -> memref<640xf32, #tpu.memory_space<hbm>>
      %dma_wait3A_23 = tpu.memref_slice %arg8[%mul3A_16] : memref<10240xf32, #tpu.memory_space<vmem_shared>> -> memref<640xf32, #tpu.memory_space<vmem_shared>>
      tpu.wait_dma2 semaphore(%run_scoped3A : memref<!tpu.dma_semaphore, #tpu.memory_space<semaphore_mem>>) src(%dma_wait3A_23 : memref<640xf32, #tpu.memory_space<vmem_shared>>) dst(%dma_wait3A : memref<640xf32, #tpu.memory_space<hbm>>)
      tpu.yield
    }) : () -> ()
    return
  }
}

#map = affine_map<(d0, d1) -> (0, 0)>
#map1 = affine_map<(d0, d1) -> (0, 0, 0)>
module attributes {stable_mosaic.version = 14 : i64} {
  func.func @scatter_kernel(%arg0: i32, %arg1: i32, %arg2: memref<10000x128xf32, #tpu.memory_space<hbm>>, %arg3: memref<32x80x128xi32, #tpu.memory_space<hbm>>, %arg4: memref<32x80x128xi32, #tpu.memory_space<hbm>>, %arg5: memref<640x128xf32, #tpu.memory_space<hbm>>, %arg6: memref<20480x128xf32, #tpu.memory_space<hbm>>, %arg7: memref<40x128xi32, #tpu.memory_space<vmem>>, %arg8: memref<40x128xi32, #tpu.memory_space<vmem>>, %arg9: memref<128x128xf32, #tpu.memory_space<vmem>>, %arg10: memref<128x128xf32, #tpu.memory_space<vmem>>, %arg11: memref<10240x128xf32, #tpu.memory_space<vmem_shared>>, %arg12: memref<!tpu.dma_semaphore, #tpu.memory_space<semaphore_mem>>, %arg13: memref<!tpu.dma_semaphore, #tpu.memory_space<semaphore_mem>>) attributes {dimension_semantics = [#tpu.dimension_semantics<core_parallel>, #tpu.dimension_semantics<subcore_parallel>], iteration_bounds = array<i64: 2, 16>, scalar_prefetch = 0 : i64, scratch_operands = 7 : i64, tpu.core_type = #tpu.core_type<sc_vector_subcore>, window_params = [{transform_indices = #map}, {transform_indices = #map1}, {transform_indices = #map1}, {transform_indices = #map}, {transform_indices = #map}]} {
    %mul3A = arith.constant 16 : i32
    %mul3A_0 = arith.muli %arg0, %mul3A : i32
    %add3A = arith.addi %mul3A_0, %arg1 : i32
    %mul3A_1 = arith.constant 640 : i32
    %mul3A_2 = arith.muli %arg1, %mul3A_1 : i32
    "tpu.region"() ({
      %run_scoped3A = tpu.sem_alloc : memref<!tpu.dma_semaphore, #tpu.memory_space<semaphore_mem>>
      %dma_start3A_35 = arith.constant 0 : i32
      %dma_start3A_36 = tpu.memref_slice %arg11[%mul3A_2, %dma_start3A_35] : memref<10240x128xf32, #tpu.memory_space<vmem_shared>> -> memref<640x128xf32, #tpu.memory_space<vmem_shared>>
      tpu.enqueue_dma source(%arg5 : memref<640x128xf32, #tpu.memory_space<hbm>>) target(%dma_start3A_36 : memref<640x128xf32, #tpu.memory_space<vmem_shared>>) target_semaphore(%run_scoped3A : memref<!tpu.dma_semaphore, #tpu.memory_space<semaphore_mem>>)
      %dma_wait3A = arith.constant 0 : i32
      %dma_wait3A_37 = tpu.memref_slice %arg11[%mul3A_2, %dma_wait3A] : memref<10240x128xf32, #tpu.memory_space<vmem_shared>> -> memref<640x128xf32, #tpu.memory_space<vmem_shared>>
      tpu.wait_dma2 semaphore(%run_scoped3A : memref<!tpu.dma_semaphore, #tpu.memory_space<semaphore_mem>>) src(%arg5 : memref<640x128xf32, #tpu.memory_space<hbm>>) dst(%dma_wait3A_37 : memref<640x128xf32, #tpu.memory_space<vmem_shared>>)
      tpu.yield
    }) : () -> ()
    %barrier3A = arith.constant 0 : index
    tpu.barrier barrier_id(%barrier3A)
    "tpu.region"() ({
      %run_scoped3A = tpu.sem_alloc : memref<!tpu.dma_semaphore, #tpu.memory_space<semaphore_mem>>
      %dma_start3A_35 = arith.constant 0 : i32
      %dma_start3A_36 = arith.constant 0 : i32
      %dma_start3A_37 = tpu.memref_slice %arg3[%add3A, %dma_start3A_35, %dma_start3A_36] : memref<32x80x128xi32, #tpu.memory_space<hbm>> -> memref<1x40x128xi32, #tpu.memory_space<hbm>>
      %dma_start3A_38 = tpu.memref_squeeze %dma_start3A_37 : memref<1x40x128xi32, #tpu.memory_space<hbm>> -> memref<40x128xi32, #tpu.memory_space<hbm>>
      %dma_start3A_39 = arith.constant 0 : i32
      %dma_start3A_40 = arith.constant 0 : i32
      %dma_start3A_41 = tpu.memref_slice %arg3[%add3A, %dma_start3A_39, %dma_start3A_40] : memref<32x80x128xi32, #tpu.memory_space<hbm>> -> memref<1x40x128xi32, #tpu.memory_space<hbm>>
      %dma_start3A_42 = tpu.memref_squeeze %dma_start3A_41 : memref<1x40x128xi32, #tpu.memory_space<hbm>> -> memref<40x128xi32, #tpu.memory_space<hbm>>
      tpu.enqueue_dma source(%dma_start3A_42 : memref<40x128xi32, #tpu.memory_space<hbm>>) target(%arg7 : memref<40x128xi32, #tpu.memory_space<vmem>>) target_semaphore(%run_scoped3A : memref<!tpu.dma_semaphore, #tpu.memory_space<semaphore_mem>>)
      %dma_wait3A = arith.constant 0 : i32
      %dma_wait3A_43 = arith.constant 0 : i32
      %dma_wait3A_44 = tpu.memref_slice %arg3[%add3A, %dma_wait3A, %dma_wait3A_43] : memref<32x80x128xi32, #tpu.memory_space<hbm>> -> memref<1x40x128xi32, #tpu.memory_space<hbm>>
      %dma_wait3A_45 = tpu.memref_squeeze %dma_wait3A_44 : memref<1x40x128xi32, #tpu.memory_space<hbm>> -> memref<40x128xi32, #tpu.memory_space<hbm>>
      %dma_wait3A_46 = arith.constant 0 : i32
      %dma_wait3A_47 = arith.constant 0 : i32
      %dma_wait3A_48 = tpu.memref_slice %arg3[%add3A, %dma_wait3A_46, %dma_wait3A_47] : memref<32x80x128xi32, #tpu.memory_space<hbm>> -> memref<1x40x128xi32, #tpu.memory_space<hbm>>
      %dma_wait3A_49 = tpu.memref_squeeze %dma_wait3A_48 : memref<1x40x128xi32, #tpu.memory_space<hbm>> -> memref<40x128xi32, #tpu.memory_space<hbm>>
      tpu.wait_dma2 semaphore(%run_scoped3A : memref<!tpu.dma_semaphore, #tpu.memory_space<semaphore_mem>>) src(%dma_wait3A_49 : memref<40x128xi32, #tpu.memory_space<hbm>>) dst(%arg7 : memref<40x128xi32, #tpu.memory_space<vmem>>)
      tpu.yield
    }) : () -> ()
    "tpu.region"() ({
      %run_scoped3A = tpu.sem_alloc : memref<!tpu.dma_semaphore, #tpu.memory_space<semaphore_mem>>
      %dma_start3A_35 = arith.constant 0 : i32
      %dma_start3A_36 = arith.constant 0 : i32
      %dma_start3A_37 = tpu.memref_slice %arg4[%add3A, %dma_start3A_35, %dma_start3A_36] : memref<32x80x128xi32, #tpu.memory_space<hbm>> -> memref<1x40x128xi32, #tpu.memory_space<hbm>>
      %dma_start3A_38 = tpu.memref_squeeze %dma_start3A_37 : memref<1x40x128xi32, #tpu.memory_space<hbm>> -> memref<40x128xi32, #tpu.memory_space<hbm>>
      %dma_start3A_39 = arith.constant 0 : i32
      %dma_start3A_40 = arith.constant 0 : i32
      %dma_start3A_41 = tpu.memref_slice %arg4[%add3A, %dma_start3A_39, %dma_start3A_40] : memref<32x80x128xi32, #tpu.memory_space<hbm>> -> memref<1x40x128xi32, #tpu.memory_space<hbm>>
      %dma_start3A_42 = tpu.memref_squeeze %dma_start3A_41 : memref<1x40x128xi32, #tpu.memory_space<hbm>> -> memref<40x128xi32, #tpu.memory_space<hbm>>
      tpu.enqueue_dma source(%dma_start3A_42 : memref<40x128xi32, #tpu.memory_space<hbm>>) target(%arg8 : memref<40x128xi32, #tpu.memory_space<vmem>>) target_semaphore(%run_scoped3A : memref<!tpu.dma_semaphore, #tpu.memory_space<semaphore_mem>>)
      %dma_wait3A = arith.constant 0 : i32
      %dma_wait3A_43 = arith.constant 0 : i32
      %dma_wait3A_44 = tpu.memref_slice %arg4[%add3A, %dma_wait3A, %dma_wait3A_43] : memref<32x80x128xi32, #tpu.memory_space<hbm>> -> memref<1x40x128xi32, #tpu.memory_space<hbm>>
      %dma_wait3A_45 = tpu.memref_squeeze %dma_wait3A_44 : memref<1x40x128xi32, #tpu.memory_space<hbm>> -> memref<40x128xi32, #tpu.memory_space<hbm>>
      %dma_wait3A_46 = arith.constant 0 : i32
      %dma_wait3A_47 = arith.constant 0 : i32
      %dma_wait3A_48 = tpu.memref_slice %arg4[%add3A, %dma_wait3A_46, %dma_wait3A_47] : memref<32x80x128xi32, #tpu.memory_space<hbm>> -> memref<1x40x128xi32, #tpu.memory_space<hbm>>
      %dma_wait3A_49 = tpu.memref_squeeze %dma_wait3A_48 : memref<1x40x128xi32, #tpu.memory_space<hbm>> -> memref<40x128xi32, #tpu.memory_space<hbm>>
      tpu.wait_dma2 semaphore(%run_scoped3A : memref<!tpu.dma_semaphore, #tpu.memory_space<semaphore_mem>>) src(%dma_wait3A_49 : memref<40x128xi32, #tpu.memory_space<hbm>>) dst(%arg8 : memref<40x128xi32, #tpu.memory_space<vmem>>)
      tpu.yield
    }) : () -> ()
    %dma_start3A = arith.constant 0 : i32
    %dma_start3A_3 = arith.constant 0 : i32
    %dma_start3A_4 = tpu.memref_slice %arg7[%dma_start3A, %dma_start3A_3] : memref<40x128xi32, #tpu.memory_space<vmem>> -> memref<1x128xi32, #tpu.memory_space<vmem>>
    %dma_start3A_5 = tpu.memref_squeeze %dma_start3A_4 : memref<1x128xi32, #tpu.memory_space<vmem>> -> memref<128xi32, #tpu.memory_space<vmem>>
    %dma_start3A_6 = arith.constant 0 : i32
    %dma_start3A_7 = arith.constant 0 : i32
    %dma_start3A_8 = tpu.memref_slice %arg2[%dma_start3A_6, %dma_start3A_7] : memref<10000x128xf32, #tpu.memory_space<hbm>> -> memref<10000x128xf32, #tpu.memory_space<hbm>>
    tpu.enqueue_indirect_dma source(%dma_start3A_8 : memref<10000x128xf32, #tpu.memory_space<hbm>>) target(%arg9 : memref<128x128xf32, #tpu.memory_space<vmem>>) offsets(%dma_start3A_5 : memref<128xi32, #tpu.memory_space<vmem>>) semaphore(%arg12 : memref<!tpu.dma_semaphore, #tpu.memory_space<semaphore_mem>>)
    %scan3A = arith.constant 0 : i32
    %scan3A_9 = arith.constant 0 : i32
    %scan3A_10 = arith.constant 20 : i32
    %scan3A_11 = arith.addi %scan3A_9, %scan3A_10 : i32
    %scan3A_12 = arith.constant 1 : i32
    scf.for %scan3A_35 = %scan3A_9 to %scan3A_11 step %scan3A_12  : i32 {
      %mul3A_36 = arith.constant 2 : i32
      %mul3A_37 = arith.muli %mul3A_36, %scan3A_35 : i32
      %add3A_38 = arith.constant 1 : i32
      %add3A_39 = arith.addi %mul3A_37, %add3A_38 : i32
      %add3A_40 = arith.constant 2 : i32
      %add3A_41 = arith.addi %mul3A_37, %add3A_40 : i32
      %dma_start3A_42 = arith.constant 0 : i32
      %dma_start3A_43 = tpu.memref_slice %arg7[%add3A_39, %dma_start3A_42] : memref<40x128xi32, #tpu.memory_space<vmem>> -> memref<1x128xi32, #tpu.memory_space<vmem>>
      %dma_start3A_44 = tpu.memref_squeeze %dma_start3A_43 : memref<1x128xi32, #tpu.memory_space<vmem>> -> memref<128xi32, #tpu.memory_space<vmem>>
      %dma_start3A_45 = arith.constant 0 : i32
      %dma_start3A_46 = arith.constant 0 : i32
      %dma_start3A_47 = tpu.memref_slice %arg2[%dma_start3A_45, %dma_start3A_46] : memref<10000x128xf32, #tpu.memory_space<hbm>> -> memref<10000x128xf32, #tpu.memory_space<hbm>>
      tpu.enqueue_indirect_dma source(%dma_start3A_47 : memref<10000x128xf32, #tpu.memory_space<hbm>>) target(%arg10 : memref<128x128xf32, #tpu.memory_space<vmem>>) offsets(%dma_start3A_44 : memref<128xi32, #tpu.memory_space<vmem>>) semaphore(%arg13 : memref<!tpu.dma_semaphore, #tpu.memory_space<semaphore_mem>>)
      %dma_wait3A = arith.constant 0 : i32
      %dma_wait3A_48 = tpu.memref_slice %arg7[%mul3A_37, %dma_wait3A] : memref<40x128xi32, #tpu.memory_space<vmem>> -> memref<1x128xi32, #tpu.memory_space<vmem>>
      %dma_wait3A_49 = tpu.memref_squeeze %dma_wait3A_48 : memref<1x128xi32, #tpu.memory_space<vmem>> -> memref<128xi32, #tpu.memory_space<vmem>>
      %dma_wait3A_50 = arith.constant 0 : i32
      %dma_wait3A_51 = arith.constant 0 : i32
      %dma_wait3A_52 = tpu.memref_slice %arg2[%dma_wait3A_50, %dma_wait3A_51] : memref<10000x128xf32, #tpu.memory_space<hbm>> -> memref<10000x128xf32, #tpu.memory_space<hbm>>
      tpu.wait_indirect_dma semaphore(%arg12 : memref<!tpu.dma_semaphore, #tpu.memory_space<semaphore_mem>>) src(%dma_wait3A_52 : memref<10000x128xf32, #tpu.memory_space<hbm>>) dst(%arg9 : memref<128x128xf32, #tpu.memory_space<vmem>>)
      "tpu.region"() ({
        %run_scoped3A = tpu.sem_alloc : memref<!tpu.dma_semaphore, #tpu.memory_space<semaphore_mem>>
        %dma_start3A_61 = arith.constant 0 : i32
        %dma_start3A_62 = tpu.memref_slice %arg8[%mul3A_37, %dma_start3A_61] : memref<40x128xi32, #tpu.memory_space<vmem>> -> memref<1x128xi32, #tpu.memory_space<vmem>>
        %dma_start3A_63 = tpu.memref_squeeze %dma_start3A_62 : memref<1x128xi32, #tpu.memory_space<vmem>> -> memref<128xi32, #tpu.memory_space<vmem>>
        %dma_start3A_64 = arith.constant 0 : i32
        %dma_start3A_65 = arith.constant 0 : i32
        %dma_start3A_66 = tpu.memref_slice %arg11[%dma_start3A_64, %dma_start3A_65] : memref<10240x128xf32, #tpu.memory_space<vmem_shared>> -> memref<10240x128xf32, #tpu.memory_space<vmem_shared>>
        tpu.enqueue_indirect_dma source(%arg9 : memref<128x128xf32, #tpu.memory_space<vmem>>) target(%dma_start3A_66 : memref<10240x128xf32, #tpu.memory_space<vmem_shared>>) offsets(%dma_start3A_63 : memref<128xi32, #tpu.memory_space<vmem>>) semaphore(%run_scoped3A : memref<!tpu.dma_semaphore, #tpu.memory_space<semaphore_mem>>) {add = true}
        %dma_wait3A_67 = arith.constant 0 : i32
        %dma_wait3A_68 = tpu.memref_slice %arg8[%mul3A_37, %dma_wait3A_67] : memref<40x128xi32, #tpu.memory_space<vmem>> -> memref<1x128xi32, #tpu.memory_space<vmem>>
        %dma_wait3A_69 = tpu.memref_squeeze %dma_wait3A_68 : memref<1x128xi32, #tpu.memory_space<vmem>> -> memref<128xi32, #tpu.memory_space<vmem>>
        %dma_wait3A_70 = arith.constant 0 : i32
        %dma_wait3A_71 = arith.constant 0 : i32
        %dma_wait3A_72 = tpu.memref_slice %arg11[%dma_wait3A_70, %dma_wait3A_71] : memref<10240x128xf32, #tpu.memory_space<vmem_shared>> -> memref<10240x128xf32, #tpu.memory_space<vmem_shared>>
        tpu.wait_indirect_dma semaphore(%run_scoped3A : memref<!tpu.dma_semaphore, #tpu.memory_space<semaphore_mem>>) src(%arg9 : memref<128x128xf32, #tpu.memory_space<vmem>>) dst(%dma_wait3A_72 : memref<10240x128xf32, #tpu.memory_space<vmem_shared>>)
        tpu.yield
      }) : () -> ()
      %lt3A = arith.constant 40 : i32
      %lt3A_53 = arith.cmpi slt, %add3A_41, %lt3A : i32
      %convert_element_type3A = arith.extui %lt3A_53 : i1 to i32
      %cond3A = arith.constant 0 : i32
      %cond3A_54 = arith.cmpi ne, %convert_element_type3A, %cond3A : i32
      scf.if %cond3A_54 {
        %dma_start3A_61 = arith.constant 0 : i32
        %dma_start3A_62 = tpu.memref_slice %arg7[%add3A_41, %dma_start3A_61] : memref<40x128xi32, #tpu.memory_space<vmem>> -> memref<1x128xi32, #tpu.memory_space<vmem>>
        %dma_start3A_63 = tpu.memref_squeeze %dma_start3A_62 : memref<1x128xi32, #tpu.memory_space<vmem>> -> memref<128xi32, #tpu.memory_space<vmem>>
        %dma_start3A_64 = arith.constant 0 : i32
        %dma_start3A_65 = arith.constant 0 : i32
        %dma_start3A_66 = tpu.memref_slice %arg2[%dma_start3A_64, %dma_start3A_65] : memref<10000x128xf32, #tpu.memory_space<hbm>> -> memref<10000x128xf32, #tpu.memory_space<hbm>>
        tpu.enqueue_indirect_dma source(%dma_start3A_66 : memref<10000x128xf32, #tpu.memory_space<hbm>>) target(%arg9 : memref<128x128xf32, #tpu.memory_space<vmem>>) offsets(%dma_start3A_63 : memref<128xi32, #tpu.memory_space<vmem>>) semaphore(%arg12 : memref<!tpu.dma_semaphore, #tpu.memory_space<semaphore_mem>>)
      } else {
      }
      %dma_wait3A_55 = arith.constant 0 : i32
      %dma_wait3A_56 = tpu.memref_slice %arg7[%add3A_39, %dma_wait3A_55] : memref<40x128xi32, #tpu.memory_space<vmem>> -> memref<1x128xi32, #tpu.memory_space<vmem>>
      %dma_wait3A_57 = tpu.memref_squeeze %dma_wait3A_56 : memref<1x128xi32, #tpu.memory_space<vmem>> -> memref<128xi32, #tpu.memory_space<vmem>>
      %dma_wait3A_58 = arith.constant 0 : i32
      %dma_wait3A_59 = arith.constant 0 : i32
      %dma_wait3A_60 = tpu.memref_slice %arg2[%dma_wait3A_58, %dma_wait3A_59] : memref<10000x128xf32, #tpu.memory_space<hbm>> -> memref<10000x128xf32, #tpu.memory_space<hbm>>
      tpu.wait_indirect_dma semaphore(%arg13 : memref<!tpu.dma_semaphore, #tpu.memory_space<semaphore_mem>>) src(%dma_wait3A_60 : memref<10000x128xf32, #tpu.memory_space<hbm>>) dst(%arg10 : memref<128x128xf32, #tpu.memory_space<vmem>>)
      "tpu.region"() ({
        %run_scoped3A = tpu.sem_alloc : memref<!tpu.dma_semaphore, #tpu.memory_space<semaphore_mem>>
        %dma_start3A_61 = arith.constant 0 : i32
        %dma_start3A_62 = tpu.memref_slice %arg8[%add3A_39, %dma_start3A_61] : memref<40x128xi32, #tpu.memory_space<vmem>> -> memref<1x128xi32, #tpu.memory_space<vmem>>
        %dma_start3A_63 = tpu.memref_squeeze %dma_start3A_62 : memref<1x128xi32, #tpu.memory_space<vmem>> -> memref<128xi32, #tpu.memory_space<vmem>>
        %dma_start3A_64 = arith.constant 0 : i32
        %dma_start3A_65 = arith.constant 0 : i32
        %dma_start3A_66 = tpu.memref_slice %arg11[%dma_start3A_64, %dma_start3A_65] : memref<10240x128xf32, #tpu.memory_space<vmem_shared>> -> memref<10240x128xf32, #tpu.memory_space<vmem_shared>>
        tpu.enqueue_indirect_dma source(%arg10 : memref<128x128xf32, #tpu.memory_space<vmem>>) target(%dma_start3A_66 : memref<10240x128xf32, #tpu.memory_space<vmem_shared>>) offsets(%dma_start3A_63 : memref<128xi32, #tpu.memory_space<vmem>>) semaphore(%run_scoped3A : memref<!tpu.dma_semaphore, #tpu.memory_space<semaphore_mem>>) {add = true}
        %dma_wait3A_67 = arith.constant 0 : i32
        %dma_wait3A_68 = tpu.memref_slice %arg8[%add3A_39, %dma_wait3A_67] : memref<40x128xi32, #tpu.memory_space<vmem>> -> memref<1x128xi32, #tpu.memory_space<vmem>>
        %dma_wait3A_69 = tpu.memref_squeeze %dma_wait3A_68 : memref<1x128xi32, #tpu.memory_space<vmem>> -> memref<128xi32, #tpu.memory_space<vmem>>
        %dma_wait3A_70 = arith.constant 0 : i32
        %dma_wait3A_71 = arith.constant 0 : i32
        %dma_wait3A_72 = tpu.memref_slice %arg11[%dma_wait3A_70, %dma_wait3A_71] : memref<10240x128xf32, #tpu.memory_space<vmem_shared>> -> memref<10240x128xf32, #tpu.memory_space<vmem_shared>>
        tpu.wait_indirect_dma semaphore(%run_scoped3A : memref<!tpu.dma_semaphore, #tpu.memory_space<semaphore_mem>>) src(%arg10 : memref<128x128xf32, #tpu.memory_space<vmem>>) dst(%dma_wait3A_72 : memref<10240x128xf32, #tpu.memory_space<vmem_shared>>)
        tpu.yield
      }) : () -> ()
    }
    %scan3A_13 = arith.constant 20 : i32
    "tpu.region"() ({
      %run_scoped3A = tpu.sem_alloc : memref<!tpu.dma_semaphore, #tpu.memory_space<semaphore_mem>>
      %dma_start3A_35 = arith.constant 40 : i32
      %dma_start3A_36 = arith.constant 0 : i32
      %dma_start3A_37 = tpu.memref_slice %arg3[%add3A, %dma_start3A_35, %dma_start3A_36] : memref<32x80x128xi32, #tpu.memory_space<hbm>> -> memref<1x40x128xi32, #tpu.memory_space<hbm>>
      %dma_start3A_38 = tpu.memref_squeeze %dma_start3A_37 : memref<1x40x128xi32, #tpu.memory_space<hbm>> -> memref<40x128xi32, #tpu.memory_space<hbm>>
      %dma_start3A_39 = arith.constant 40 : i32
      %dma_start3A_40 = arith.constant 0 : i32
      %dma_start3A_41 = tpu.memref_slice %arg3[%add3A, %dma_start3A_39, %dma_start3A_40] : memref<32x80x128xi32, #tpu.memory_space<hbm>> -> memref<1x40x128xi32, #tpu.memory_space<hbm>>
      %dma_start3A_42 = tpu.memref_squeeze %dma_start3A_41 : memref<1x40x128xi32, #tpu.memory_space<hbm>> -> memref<40x128xi32, #tpu.memory_space<hbm>>
      tpu.enqueue_dma source(%dma_start3A_42 : memref<40x128xi32, #tpu.memory_space<hbm>>) target(%arg7 : memref<40x128xi32, #tpu.memory_space<vmem>>) target_semaphore(%run_scoped3A : memref<!tpu.dma_semaphore, #tpu.memory_space<semaphore_mem>>)
      %dma_wait3A = arith.constant 40 : i32
      %dma_wait3A_43 = arith.constant 0 : i32
      %dma_wait3A_44 = tpu.memref_slice %arg3[%add3A, %dma_wait3A, %dma_wait3A_43] : memref<32x80x128xi32, #tpu.memory_space<hbm>> -> memref<1x40x128xi32, #tpu.memory_space<hbm>>
      %dma_wait3A_45 = tpu.memref_squeeze %dma_wait3A_44 : memref<1x40x128xi32, #tpu.memory_space<hbm>> -> memref<40x128xi32, #tpu.memory_space<hbm>>
      %dma_wait3A_46 = arith.constant 40 : i32
      %dma_wait3A_47 = arith.constant 0 : i32
      %dma_wait3A_48 = tpu.memref_slice %arg3[%add3A, %dma_wait3A_46, %dma_wait3A_47] : memref<32x80x128xi32, #tpu.memory_space<hbm>> -> memref<1x40x128xi32, #tpu.memory_space<hbm>>
      %dma_wait3A_49 = tpu.memref_squeeze %dma_wait3A_48 : memref<1x40x128xi32, #tpu.memory_space<hbm>> -> memref<40x128xi32, #tpu.memory_space<hbm>>
      tpu.wait_dma2 semaphore(%run_scoped3A : memref<!tpu.dma_semaphore, #tpu.memory_space<semaphore_mem>>) src(%dma_wait3A_49 : memref<40x128xi32, #tpu.memory_space<hbm>>) dst(%arg7 : memref<40x128xi32, #tpu.memory_space<vmem>>)
      tpu.yield
    }) : () -> ()
    "tpu.region"() ({
      %run_scoped3A = tpu.sem_alloc : memref<!tpu.dma_semaphore, #tpu.memory_space<semaphore_mem>>
      %dma_start3A_35 = arith.constant 40 : i32
      %dma_start3A_36 = arith.constant 0 : i32
      %dma_start3A_37 = tpu.memref_slice %arg4[%add3A, %dma_start3A_35, %dma_start3A_36] : memref<32x80x128xi32, #tpu.memory_space<hbm>> -> memref<1x40x128xi32, #tpu.memory_space<hbm>>
      %dma_start3A_38 = tpu.memref_squeeze %dma_start3A_37 : memref<1x40x128xi32, #tpu.memory_space<hbm>> -> memref<40x128xi32, #tpu.memory_space<hbm>>
      %dma_start3A_39 = arith.constant 40 : i32
      %dma_start3A_40 = arith.constant 0 : i32
      %dma_start3A_41 = tpu.memref_slice %arg4[%add3A, %dma_start3A_39, %dma_start3A_40] : memref<32x80x128xi32, #tpu.memory_space<hbm>> -> memref<1x40x128xi32, #tpu.memory_space<hbm>>
      %dma_start3A_42 = tpu.memref_squeeze %dma_start3A_41 : memref<1x40x128xi32, #tpu.memory_space<hbm>> -> memref<40x128xi32, #tpu.memory_space<hbm>>
      tpu.enqueue_dma source(%dma_start3A_42 : memref<40x128xi32, #tpu.memory_space<hbm>>) target(%arg8 : memref<40x128xi32, #tpu.memory_space<vmem>>) target_semaphore(%run_scoped3A : memref<!tpu.dma_semaphore, #tpu.memory_space<semaphore_mem>>)
      %dma_wait3A = arith.constant 40 : i32
      %dma_wait3A_43 = arith.constant 0 : i32
      %dma_wait3A_44 = tpu.memref_slice %arg4[%add3A, %dma_wait3A, %dma_wait3A_43] : memref<32x80x128xi32, #tpu.memory_space<hbm>> -> memref<1x40x128xi32, #tpu.memory_space<hbm>>
      %dma_wait3A_45 = tpu.memref_squeeze %dma_wait3A_44 : memref<1x40x128xi32, #tpu.memory_space<hbm>> -> memref<40x128xi32, #tpu.memory_space<hbm>>
      %dma_wait3A_46 = arith.constant 40 : i32
      %dma_wait3A_47 = arith.constant 0 : i32
      %dma_wait3A_48 = tpu.memref_slice %arg4[%add3A, %dma_wait3A_46, %dma_wait3A_47] : memref<32x80x128xi32, #tpu.memory_space<hbm>> -> memref<1x40x128xi32, #tpu.memory_space<hbm>>
      %dma_wait3A_49 = tpu.memref_squeeze %dma_wait3A_48 : memref<1x40x128xi32, #tpu.memory_space<hbm>> -> memref<40x128xi32, #tpu.memory_space<hbm>>
      tpu.wait_dma2 semaphore(%run_scoped3A : memref<!tpu.dma_semaphore, #tpu.memory_space<semaphore_mem>>) src(%dma_wait3A_49 : memref<40x128xi32, #tpu.memory_space<hbm>>) dst(%arg8 : memref<40x128xi32, #tpu.memory_space<vmem>>)
      tpu.yield
    }) : () -> ()
    %dma_start3A_14 = arith.constant 0 : i32
    %dma_start3A_15 = arith.constant 0 : i32
    %dma_start3A_16 = tpu.memref_slice %arg7[%dma_start3A_14, %dma_start3A_15] : memref<40x128xi32, #tpu.memory_space<vmem>> -> memref<1x128xi32, #tpu.memory_space<vmem>>
    %dma_start3A_17 = tpu.memref_squeeze %dma_start3A_16 : memref<1x128xi32, #tpu.memory_space<vmem>> -> memref<128xi32, #tpu.memory_space<vmem>>
    %dma_start3A_18 = arith.constant 0 : i32
    %dma_start3A_19 = arith.constant 0 : i32
    %dma_start3A_20 = tpu.memref_slice %arg2[%dma_start3A_18, %dma_start3A_19] : memref<10000x128xf32, #tpu.memory_space<hbm>> -> memref<10000x128xf32, #tpu.memory_space<hbm>>
    tpu.enqueue_indirect_dma source(%dma_start3A_20 : memref<10000x128xf32, #tpu.memory_space<hbm>>) target(%arg9 : memref<128x128xf32, #tpu.memory_space<vmem>>) offsets(%dma_start3A_17 : memref<128xi32, #tpu.memory_space<vmem>>) semaphore(%arg12 : memref<!tpu.dma_semaphore, #tpu.memory_space<semaphore_mem>>)
    %scan3A_21 = arith.constant 0 : i32
    %scan3A_22 = arith.constant 0 : i32
    %scan3A_23 = arith.constant 20 : i32
    %scan3A_24 = arith.addi %scan3A_22, %scan3A_23 : i32
    %scan3A_25 = arith.constant 1 : i32
    scf.for %scan3A_35 = %scan3A_22 to %scan3A_24 step %scan3A_25  : i32 {
      %mul3A_36 = arith.constant 2 : i32
      %mul3A_37 = arith.muli %mul3A_36, %scan3A_35 : i32
      %add3A_38 = arith.constant 1 : i32
      %add3A_39 = arith.addi %mul3A_37, %add3A_38 : i32
      %add3A_40 = arith.constant 2 : i32
      %add3A_41 = arith.addi %mul3A_37, %add3A_40 : i32
      %dma_start3A_42 = arith.constant 0 : i32
      %dma_start3A_43 = tpu.memref_slice %arg7[%add3A_39, %dma_start3A_42] : memref<40x128xi32, #tpu.memory_space<vmem>> -> memref<1x128xi32, #tpu.memory_space<vmem>>
      %dma_start3A_44 = tpu.memref_squeeze %dma_start3A_43 : memref<1x128xi32, #tpu.memory_space<vmem>> -> memref<128xi32, #tpu.memory_space<vmem>>
      %dma_start3A_45 = arith.constant 0 : i32
      %dma_start3A_46 = arith.constant 0 : i32
      %dma_start3A_47 = tpu.memref_slice %arg2[%dma_start3A_45, %dma_start3A_46] : memref<10000x128xf32, #tpu.memory_space<hbm>> -> memref<10000x128xf32, #tpu.memory_space<hbm>>
      tpu.enqueue_indirect_dma source(%dma_start3A_47 : memref<10000x128xf32, #tpu.memory_space<hbm>>) target(%arg10 : memref<128x128xf32, #tpu.memory_space<vmem>>) offsets(%dma_start3A_44 : memref<128xi32, #tpu.memory_space<vmem>>) semaphore(%arg13 : memref<!tpu.dma_semaphore, #tpu.memory_space<semaphore_mem>>)
      %dma_wait3A = arith.constant 0 : i32
      %dma_wait3A_48 = tpu.memref_slice %arg7[%mul3A_37, %dma_wait3A] : memref<40x128xi32, #tpu.memory_space<vmem>> -> memref<1x128xi32, #tpu.memory_space<vmem>>
      %dma_wait3A_49 = tpu.memref_squeeze %dma_wait3A_48 : memref<1x128xi32, #tpu.memory_space<vmem>> -> memref<128xi32, #tpu.memory_space<vmem>>
      %dma_wait3A_50 = arith.constant 0 : i32
      %dma_wait3A_51 = arith.constant 0 : i32
      %dma_wait3A_52 = tpu.memref_slice %arg2[%dma_wait3A_50, %dma_wait3A_51] : memref<10000x128xf32, #tpu.memory_space<hbm>> -> memref<10000x128xf32, #tpu.memory_space<hbm>>
      tpu.wait_indirect_dma semaphore(%arg12 : memref<!tpu.dma_semaphore, #tpu.memory_space<semaphore_mem>>) src(%dma_wait3A_52 : memref<10000x128xf32, #tpu.memory_space<hbm>>) dst(%arg9 : memref<128x128xf32, #tpu.memory_space<vmem>>)
      "tpu.region"() ({
        %run_scoped3A = tpu.sem_alloc : memref<!tpu.dma_semaphore, #tpu.memory_space<semaphore_mem>>
        %dma_start3A_61 = arith.constant 0 : i32
        %dma_start3A_62 = tpu.memref_slice %arg8[%mul3A_37, %dma_start3A_61] : memref<40x128xi32, #tpu.memory_space<vmem>> -> memref<1x128xi32, #tpu.memory_space<vmem>>
        %dma_start3A_63 = tpu.memref_squeeze %dma_start3A_62 : memref<1x128xi32, #tpu.memory_space<vmem>> -> memref<128xi32, #tpu.memory_space<vmem>>
        %dma_start3A_64 = arith.constant 0 : i32
        %dma_start3A_65 = arith.constant 0 : i32
        %dma_start3A_66 = tpu.memref_slice %arg11[%dma_start3A_64, %dma_start3A_65] : memref<10240x128xf32, #tpu.memory_space<vmem_shared>> -> memref<10240x128xf32, #tpu.memory_space<vmem_shared>>
        tpu.enqueue_indirect_dma source(%arg9 : memref<128x128xf32, #tpu.memory_space<vmem>>) target(%dma_start3A_66 : memref<10240x128xf32, #tpu.memory_space<vmem_shared>>) offsets(%dma_start3A_63 : memref<128xi32, #tpu.memory_space<vmem>>) semaphore(%run_scoped3A : memref<!tpu.dma_semaphore, #tpu.memory_space<semaphore_mem>>) {add = true}
        %dma_wait3A_67 = arith.constant 0 : i32
        %dma_wait3A_68 = tpu.memref_slice %arg8[%mul3A_37, %dma_wait3A_67] : memref<40x128xi32, #tpu.memory_space<vmem>> -> memref<1x128xi32, #tpu.memory_space<vmem>>
        %dma_wait3A_69 = tpu.memref_squeeze %dma_wait3A_68 : memref<1x128xi32, #tpu.memory_space<vmem>> -> memref<128xi32, #tpu.memory_space<vmem>>
        %dma_wait3A_70 = arith.constant 0 : i32
        %dma_wait3A_71 = arith.constant 0 : i32
        %dma_wait3A_72 = tpu.memref_slice %arg11[%dma_wait3A_70, %dma_wait3A_71] : memref<10240x128xf32, #tpu.memory_space<vmem_shared>> -> memref<10240x128xf32, #tpu.memory_space<vmem_shared>>
        tpu.wait_indirect_dma semaphore(%run_scoped3A : memref<!tpu.dma_semaphore, #tpu.memory_space<semaphore_mem>>) src(%arg9 : memref<128x128xf32, #tpu.memory_space<vmem>>) dst(%dma_wait3A_72 : memref<10240x128xf32, #tpu.memory_space<vmem_shared>>)
        tpu.yield
      }) : () -> ()
      %lt3A = arith.constant 40 : i32
      %lt3A_53 = arith.cmpi slt, %add3A_41, %lt3A : i32
      %convert_element_type3A = arith.extui %lt3A_53 : i1 to i32
      %cond3A = arith.constant 0 : i32
      %cond3A_54 = arith.cmpi ne, %convert_element_type3A, %cond3A : i32
      scf.if %cond3A_54 {
        %dma_start3A_61 = arith.constant 0 : i32
        %dma_start3A_62 = tpu.memref_slice %arg7[%add3A_41, %dma_start3A_61] : memref<40x128xi32, #tpu.memory_space<vmem>> -> memref<1x128xi32, #tpu.memory_space<vmem>>
        %dma_start3A_63 = tpu.memref_squeeze %dma_start3A_62 : memref<1x128xi32, #tpu.memory_space<vmem>> -> memref<128xi32, #tpu.memory_space<vmem>>
        %dma_start3A_64 = arith.constant 0 : i32
        %dma_start3A_65 = arith.constant 0 : i32
        %dma_start3A_66 = tpu.memref_slice %arg2[%dma_start3A_64, %dma_start3A_65] : memref<10000x128xf32, #tpu.memory_space<hbm>> -> memref<10000x128xf32, #tpu.memory_space<hbm>>
        tpu.enqueue_indirect_dma source(%dma_start3A_66 : memref<10000x128xf32, #tpu.memory_space<hbm>>) target(%arg9 : memref<128x128xf32, #tpu.memory_space<vmem>>) offsets(%dma_start3A_63 : memref<128xi32, #tpu.memory_space<vmem>>) semaphore(%arg12 : memref<!tpu.dma_semaphore, #tpu.memory_space<semaphore_mem>>)
      } else {
      }
      %dma_wait3A_55 = arith.constant 0 : i32
      %dma_wait3A_56 = tpu.memref_slice %arg7[%add3A_39, %dma_wait3A_55] : memref<40x128xi32, #tpu.memory_space<vmem>> -> memref<1x128xi32, #tpu.memory_space<vmem>>
      %dma_wait3A_57 = tpu.memref_squeeze %dma_wait3A_56 : memref<1x128xi32, #tpu.memory_space<vmem>> -> memref<128xi32, #tpu.memory_space<vmem>>
      %dma_wait3A_58 = arith.constant 0 : i32
      %dma_wait3A_59 = arith.constant 0 : i32
      %dma_wait3A_60 = tpu.memref_slice %arg2[%dma_wait3A_58, %dma_wait3A_59] : memref<10000x128xf32, #tpu.memory_space<hbm>> -> memref<10000x128xf32, #tpu.memory_space<hbm>>
      tpu.wait_indirect_dma semaphore(%arg13 : memref<!tpu.dma_semaphore, #tpu.memory_space<semaphore_mem>>) src(%dma_wait3A_60 : memref<10000x128xf32, #tpu.memory_space<hbm>>) dst(%arg10 : memref<128x128xf32, #tpu.memory_space<vmem>>)
      "tpu.region"() ({
        %run_scoped3A = tpu.sem_alloc : memref<!tpu.dma_semaphore, #tpu.memory_space<semaphore_mem>>
        %dma_start3A_61 = arith.constant 0 : i32
        %dma_start3A_62 = tpu.memref_slice %arg8[%add3A_39, %dma_start3A_61] : memref<40x128xi32, #tpu.memory_space<vmem>> -> memref<1x128xi32, #tpu.memory_space<vmem>>
        %dma_start3A_63 = tpu.memref_squeeze %dma_start3A_62 : memref<1x128xi32, #tpu.memory_space<vmem>> -> memref<128xi32, #tpu.memory_space<vmem>>
        %dma_start3A_64 = arith.constant 0 : i32
        %dma_start3A_65 = arith.constant 0 : i32
        %dma_start3A_66 = tpu.memref_slice %arg11[%dma_start3A_64, %dma_start3A_65] : memref<10240x128xf32, #tpu.memory_space<vmem_shared>> -> memref<10240x128xf32, #tpu.memory_space<vmem_shared>>
        tpu.enqueue_indirect_dma source(%arg10 : memref<128x128xf32, #tpu.memory_space<vmem>>) target(%dma_start3A_66 : memref<10240x128xf32, #tpu.memory_space<vmem_shared>>) offsets(%dma_start3A_63 : memref<128xi32, #tpu.memory_space<vmem>>) semaphore(%run_scoped3A : memref<!tpu.dma_semaphore, #tpu.memory_space<semaphore_mem>>) {add = true}
        %dma_wait3A_67 = arith.constant 0 : i32
        %dma_wait3A_68 = tpu.memref_slice %arg8[%add3A_39, %dma_wait3A_67] : memref<40x128xi32, #tpu.memory_space<vmem>> -> memref<1x128xi32, #tpu.memory_space<vmem>>
        %dma_wait3A_69 = tpu.memref_squeeze %dma_wait3A_68 : memref<1x128xi32, #tpu.memory_space<vmem>> -> memref<128xi32, #tpu.memory_space<vmem>>
        %dma_wait3A_70 = arith.constant 0 : i32
        %dma_wait3A_71 = arith.constant 0 : i32
        %dma_wait3A_72 = tpu.memref_slice %arg11[%dma_wait3A_70, %dma_wait3A_71] : memref<10240x128xf32, #tpu.memory_space<vmem_shared>> -> memref<10240x128xf32, #tpu.memory_space<vmem_shared>>
        tpu.wait_indirect_dma semaphore(%run_scoped3A : memref<!tpu.dma_semaphore, #tpu.memory_space<semaphore_mem>>) src(%arg10 : memref<128x128xf32, #tpu.memory_space<vmem>>) dst(%dma_wait3A_72 : memref<10240x128xf32, #tpu.memory_space<vmem_shared>>)
        tpu.yield
      }) : () -> ()
    }
    %scan3A_26 = arith.constant 20 : i32
    %barrier3A_27 = arith.constant 0 : index
    tpu.barrier barrier_id(%barrier3A_27)
    %mul3A_28 = arith.constant 640 : i32
    %mul3A_29 = arith.muli %arg1, %mul3A_28 : i32
    %mul3A_30 = arith.constant 10240 : i32
    %mul3A_31 = arith.muli %arg0, %mul3A_30 : i32
    %mul3A_32 = arith.constant 640 : i32
    %mul3A_33 = arith.muli %arg1, %mul3A_32 : i32
    %add3A_34 = arith.addi %mul3A_31, %mul3A_33 : i32
    "tpu.region"() ({
      %run_scoped3A = tpu.sem_alloc : memref<!tpu.dma_semaphore, #tpu.memory_space<semaphore_mem>>
      %dma_start3A_35 = arith.constant 0 : i32
      %dma_start3A_36 = tpu.memref_slice %arg6[%add3A_34, %dma_start3A_35] : memref<20480x128xf32, #tpu.memory_space<hbm>> -> memref<640x128xf32, #tpu.memory_space<hbm>>
      %dma_start3A_37 = arith.constant 0 : i32
      %dma_start3A_38 = tpu.memref_slice %arg11[%mul3A_29, %dma_start3A_37] : memref<10240x128xf32, #tpu.memory_space<vmem_shared>> -> memref<640x128xf32, #tpu.memory_space<vmem_shared>>
      tpu.enqueue_dma source(%dma_start3A_38 : memref<640x128xf32, #tpu.memory_space<vmem_shared>>) target(%dma_start3A_36 : memref<640x128xf32, #tpu.memory_space<hbm>>) target_semaphore(%run_scoped3A : memref<!tpu.dma_semaphore, #tpu.memory_space<semaphore_mem>>)
      %dma_wait3A = arith.constant 0 : i32
      %dma_wait3A_39 = tpu.memref_slice %arg6[%add3A_34, %dma_wait3A] : memref<20480x128xf32, #tpu.memory_space<hbm>> -> memref<640x128xf32, #tpu.memory_space<hbm>>
      %dma_wait3A_40 = arith.constant 0 : i32
      %dma_wait3A_41 = tpu.memref_slice %arg11[%mul3A_29, %dma_wait3A_40] : memref<10240x128xf32, #tpu.memory_space<vmem_shared>> -> memref<640x128xf32, #tpu.memory_space<vmem_shared>>
      tpu.wait_dma2 semaphore(%run_scoped3A : memref<!tpu.dma_semaphore, #tpu.memory_space<semaphore_mem>>) src(%dma_wait3A_41 : memref<640x128xf32, #tpu.memory_space<vmem_shared>>) dst(%dma_wait3A_39 : memref<640x128xf32, #tpu.memory_space<hbm>>)
      tpu.yield
    }) : () -> ()
    return
  }
}

#map = affine_map<(d0, d1) -> (0, 0)>
#map1 = affine_map<(d0, d1) -> (0, 0, 0)>
module attributes {stable_mosaic.version = 14 : i64} {
  func.func @scatter_kernel(%arg0: i32, %arg1: i32, %arg2: memref<10000x64xf32, #tpu.memory_space<hbm>>, %arg3: memref<32x80x128xi32, #tpu.memory_space<hbm>>, %arg4: memref<32x80x128xi32, #tpu.memory_space<hbm>>, %arg5: memref<640x64xf32, #tpu.memory_space<hbm>>, %arg6: memref<20480x64xf32, #tpu.memory_space<hbm>>, %arg7: memref<40x128xi32, #tpu.memory_space<vmem>>, %arg8: memref<40x128xi32, #tpu.memory_space<vmem>>, %arg9: memref<128x64xf32, #tpu.memory_space<vmem>>, %arg10: memref<128x64xf32, #tpu.memory_space<vmem>>, %arg11: memref<10240x64xf32, #tpu.memory_space<vmem_shared>>, %arg12: memref<!tpu.dma_semaphore, #tpu.memory_space<semaphore_mem>>, %arg13: memref<!tpu.dma_semaphore, #tpu.memory_space<semaphore_mem>>) attributes {dimension_semantics = [#tpu.dimension_semantics<core_parallel>, #tpu.dimension_semantics<subcore_parallel>], iteration_bounds = array<i64: 2, 16>, scalar_prefetch = 0 : i64, scratch_operands = 7 : i64, tpu.core_type = #tpu.core_type<sc_vector_subcore>, window_params = [{transform_indices = #map}, {transform_indices = #map1}, {transform_indices = #map1}, {transform_indices = #map}, {transform_indices = #map}]} {
    %mul3A = arith.constant 16 : i32
    %mul3A_0 = arith.muli %arg0, %mul3A : i32
    %add3A = arith.addi %mul3A_0, %arg1 : i32
    %mul3A_1 = arith.constant 640 : i32
    %mul3A_2 = arith.muli %arg1, %mul3A_1 : i32
    "tpu.region"() ({
      %run_scoped3A = tpu.sem_alloc : memref<!tpu.dma_semaphore, #tpu.memory_space<semaphore_mem>>
      %dma_start3A_35 = arith.constant 0 : i32
      %dma_start3A_36 = tpu.memref_slice %arg11[%mul3A_2, %dma_start3A_35] : memref<10240x64xf32, #tpu.memory_space<vmem_shared>> -> memref<640x64xf32, #tpu.memory_space<vmem_shared>>
      tpu.enqueue_dma source(%arg5 : memref<640x64xf32, #tpu.memory_space<hbm>>) target(%dma_start3A_36 : memref<640x64xf32, #tpu.memory_space<vmem_shared>>) target_semaphore(%run_scoped3A : memref<!tpu.dma_semaphore, #tpu.memory_space<semaphore_mem>>)
      %dma_wait3A = arith.constant 0 : i32
      %dma_wait3A_37 = tpu.memref_slice %arg11[%mul3A_2, %dma_wait3A] : memref<10240x64xf32, #tpu.memory_space<vmem_shared>> -> memref<640x64xf32, #tpu.memory_space<vmem_shared>>
      tpu.wait_dma2 semaphore(%run_scoped3A : memref<!tpu.dma_semaphore, #tpu.memory_space<semaphore_mem>>) src(%arg5 : memref<640x64xf32, #tpu.memory_space<hbm>>) dst(%dma_wait3A_37 : memref<640x64xf32, #tpu.memory_space<vmem_shared>>)
      tpu.yield
    }) : () -> ()
    %barrier3A = arith.constant 0 : index
    tpu.barrier barrier_id(%barrier3A)
    "tpu.region"() ({
      %run_scoped3A = tpu.sem_alloc : memref<!tpu.dma_semaphore, #tpu.memory_space<semaphore_mem>>
      %dma_start3A_35 = arith.constant 0 : i32
      %dma_start3A_36 = arith.constant 0 : i32
      %dma_start3A_37 = tpu.memref_slice %arg3[%add3A, %dma_start3A_35, %dma_start3A_36] : memref<32x80x128xi32, #tpu.memory_space<hbm>> -> memref<1x40x128xi32, #tpu.memory_space<hbm>>
      %dma_start3A_38 = tpu.memref_squeeze %dma_start3A_37 : memref<1x40x128xi32, #tpu.memory_space<hbm>> -> memref<40x128xi32, #tpu.memory_space<hbm>>
      %dma_start3A_39 = arith.constant 0 : i32
      %dma_start3A_40 = arith.constant 0 : i32
      %dma_start3A_41 = tpu.memref_slice %arg3[%add3A, %dma_start3A_39, %dma_start3A_40] : memref<32x80x128xi32, #tpu.memory_space<hbm>> -> memref<1x40x128xi32, #tpu.memory_space<hbm>>
      %dma_start3A_42 = tpu.memref_squeeze %dma_start3A_41 : memref<1x40x128xi32, #tpu.memory_space<hbm>> -> memref<40x128xi32, #tpu.memory_space<hbm>>
      tpu.enqueue_dma source(%dma_start3A_42 : memref<40x128xi32, #tpu.memory_space<hbm>>) target(%arg7 : memref<40x128xi32, #tpu.memory_space<vmem>>) target_semaphore(%run_scoped3A : memref<!tpu.dma_semaphore, #tpu.memory_space<semaphore_mem>>)
      %dma_wait3A = arith.constant 0 : i32
      %dma_wait3A_43 = arith.constant 0 : i32
      %dma_wait3A_44 = tpu.memref_slice %arg3[%add3A, %dma_wait3A, %dma_wait3A_43] : memref<32x80x128xi32, #tpu.memory_space<hbm>> -> memref<1x40x128xi32, #tpu.memory_space<hbm>>
      %dma_wait3A_45 = tpu.memref_squeeze %dma_wait3A_44 : memref<1x40x128xi32, #tpu.memory_space<hbm>> -> memref<40x128xi32, #tpu.memory_space<hbm>>
      %dma_wait3A_46 = arith.constant 0 : i32
      %dma_wait3A_47 = arith.constant 0 : i32
      %dma_wait3A_48 = tpu.memref_slice %arg3[%add3A, %dma_wait3A_46, %dma_wait3A_47] : memref<32x80x128xi32, #tpu.memory_space<hbm>> -> memref<1x40x128xi32, #tpu.memory_space<hbm>>
      %dma_wait3A_49 = tpu.memref_squeeze %dma_wait3A_48 : memref<1x40x128xi32, #tpu.memory_space<hbm>> -> memref<40x128xi32, #tpu.memory_space<hbm>>
      tpu.wait_dma2 semaphore(%run_scoped3A : memref<!tpu.dma_semaphore, #tpu.memory_space<semaphore_mem>>) src(%dma_wait3A_49 : memref<40x128xi32, #tpu.memory_space<hbm>>) dst(%arg7 : memref<40x128xi32, #tpu.memory_space<vmem>>)
      tpu.yield
    }) : () -> ()
    "tpu.region"() ({
      %run_scoped3A = tpu.sem_alloc : memref<!tpu.dma_semaphore, #tpu.memory_space<semaphore_mem>>
      %dma_start3A_35 = arith.constant 0 : i32
      %dma_start3A_36 = arith.constant 0 : i32
      %dma_start3A_37 = tpu.memref_slice %arg4[%add3A, %dma_start3A_35, %dma_start3A_36] : memref<32x80x128xi32, #tpu.memory_space<hbm>> -> memref<1x40x128xi32, #tpu.memory_space<hbm>>
      %dma_start3A_38 = tpu.memref_squeeze %dma_start3A_37 : memref<1x40x128xi32, #tpu.memory_space<hbm>> -> memref<40x128xi32, #tpu.memory_space<hbm>>
      %dma_start3A_39 = arith.constant 0 : i32
      %dma_start3A_40 = arith.constant 0 : i32
      %dma_start3A_41 = tpu.memref_slice %arg4[%add3A, %dma_start3A_39, %dma_start3A_40] : memref<32x80x128xi32, #tpu.memory_space<hbm>> -> memref<1x40x128xi32, #tpu.memory_space<hbm>>
      %dma_start3A_42 = tpu.memref_squeeze %dma_start3A_41 : memref<1x40x128xi32, #tpu.memory_space<hbm>> -> memref<40x128xi32, #tpu.memory_space<hbm>>
      tpu.enqueue_dma source(%dma_start3A_42 : memref<40x128xi32, #tpu.memory_space<hbm>>) target(%arg8 : memref<40x128xi32, #tpu.memory_space<vmem>>) target_semaphore(%run_scoped3A : memref<!tpu.dma_semaphore, #tpu.memory_space<semaphore_mem>>)
      %dma_wait3A = arith.constant 0 : i32
      %dma_wait3A_43 = arith.constant 0 : i32
      %dma_wait3A_44 = tpu.memref_slice %arg4[%add3A, %dma_wait3A, %dma_wait3A_43] : memref<32x80x128xi32, #tpu.memory_space<hbm>> -> memref<1x40x128xi32, #tpu.memory_space<hbm>>
      %dma_wait3A_45 = tpu.memref_squeeze %dma_wait3A_44 : memref<1x40x128xi32, #tpu.memory_space<hbm>> -> memref<40x128xi32, #tpu.memory_space<hbm>>
      %dma_wait3A_46 = arith.constant 0 : i32
      %dma_wait3A_47 = arith.constant 0 : i32
      %dma_wait3A_48 = tpu.memref_slice %arg4[%add3A, %dma_wait3A_46, %dma_wait3A_47] : memref<32x80x128xi32, #tpu.memory_space<hbm>> -> memref<1x40x128xi32, #tpu.memory_space<hbm>>
      %dma_wait3A_49 = tpu.memref_squeeze %dma_wait3A_48 : memref<1x40x128xi32, #tpu.memory_space<hbm>> -> memref<40x128xi32, #tpu.memory_space<hbm>>
      tpu.wait_dma2 semaphore(%run_scoped3A : memref<!tpu.dma_semaphore, #tpu.memory_space<semaphore_mem>>) src(%dma_wait3A_49 : memref<40x128xi32, #tpu.memory_space<hbm>>) dst(%arg8 : memref<40x128xi32, #tpu.memory_space<vmem>>)
      tpu.yield
    }) : () -> ()
    %dma_start3A = arith.constant 0 : i32
    %dma_start3A_3 = arith.constant 0 : i32
    %dma_start3A_4 = tpu.memref_slice %arg7[%dma_start3A, %dma_start3A_3] : memref<40x128xi32, #tpu.memory_space<vmem>> -> memref<1x128xi32, #tpu.memory_space<vmem>>
    %dma_start3A_5 = tpu.memref_squeeze %dma_start3A_4 : memref<1x128xi32, #tpu.memory_space<vmem>> -> memref<128xi32, #tpu.memory_space<vmem>>
    %dma_start3A_6 = arith.constant 0 : i32
    %dma_start3A_7 = arith.constant 0 : i32
    %dma_start3A_8 = tpu.memref_slice %arg2[%dma_start3A_6, %dma_start3A_7] : memref<10000x64xf32, #tpu.memory_space<hbm>> -> memref<10000x64xf32, #tpu.memory_space<hbm>>
    tpu.enqueue_indirect_dma source(%dma_start3A_8 : memref<10000x64xf32, #tpu.memory_space<hbm>>) target(%arg9 : memref<128x64xf32, #tpu.memory_space<vmem>>) offsets(%dma_start3A_5 : memref<128xi32, #tpu.memory_space<vmem>>) semaphore(%arg12 : memref<!tpu.dma_semaphore, #tpu.memory_space<semaphore_mem>>)
    %scan3A = arith.constant 0 : i32
    %scan3A_9 = arith.constant 0 : i32
    %scan3A_10 = arith.constant 20 : i32
    %scan3A_11 = arith.addi %scan3A_9, %scan3A_10 : i32
    %scan3A_12 = arith.constant 1 : i32
    scf.for %scan3A_35 = %scan3A_9 to %scan3A_11 step %scan3A_12  : i32 {
      %mul3A_36 = arith.constant 2 : i32
      %mul3A_37 = arith.muli %mul3A_36, %scan3A_35 : i32
      %add3A_38 = arith.constant 1 : i32
      %add3A_39 = arith.addi %mul3A_37, %add3A_38 : i32
      %add3A_40 = arith.constant 2 : i32
      %add3A_41 = arith.addi %mul3A_37, %add3A_40 : i32
      %dma_start3A_42 = arith.constant 0 : i32
      %dma_start3A_43 = tpu.memref_slice %arg7[%add3A_39, %dma_start3A_42] : memref<40x128xi32, #tpu.memory_space<vmem>> -> memref<1x128xi32, #tpu.memory_space<vmem>>
      %dma_start3A_44 = tpu.memref_squeeze %dma_start3A_43 : memref<1x128xi32, #tpu.memory_space<vmem>> -> memref<128xi32, #tpu.memory_space<vmem>>
      %dma_start3A_45 = arith.constant 0 : i32
      %dma_start3A_46 = arith.constant 0 : i32
      %dma_start3A_47 = tpu.memref_slice %arg2[%dma_start3A_45, %dma_start3A_46] : memref<10000x64xf32, #tpu.memory_space<hbm>> -> memref<10000x64xf32, #tpu.memory_space<hbm>>
      tpu.enqueue_indirect_dma source(%dma_start3A_47 : memref<10000x64xf32, #tpu.memory_space<hbm>>) target(%arg10 : memref<128x64xf32, #tpu.memory_space<vmem>>) offsets(%dma_start3A_44 : memref<128xi32, #tpu.memory_space<vmem>>) semaphore(%arg13 : memref<!tpu.dma_semaphore, #tpu.memory_space<semaphore_mem>>)
      %dma_wait3A = arith.constant 0 : i32
      %dma_wait3A_48 = tpu.memref_slice %arg7[%mul3A_37, %dma_wait3A] : memref<40x128xi32, #tpu.memory_space<vmem>> -> memref<1x128xi32, #tpu.memory_space<vmem>>
      %dma_wait3A_49 = tpu.memref_squeeze %dma_wait3A_48 : memref<1x128xi32, #tpu.memory_space<vmem>> -> memref<128xi32, #tpu.memory_space<vmem>>
      %dma_wait3A_50 = arith.constant 0 : i32
      %dma_wait3A_51 = arith.constant 0 : i32
      %dma_wait3A_52 = tpu.memref_slice %arg2[%dma_wait3A_50, %dma_wait3A_51] : memref<10000x64xf32, #tpu.memory_space<hbm>> -> memref<10000x64xf32, #tpu.memory_space<hbm>>
      tpu.wait_indirect_dma semaphore(%arg12 : memref<!tpu.dma_semaphore, #tpu.memory_space<semaphore_mem>>) src(%dma_wait3A_52 : memref<10000x64xf32, #tpu.memory_space<hbm>>) dst(%arg9 : memref<128x64xf32, #tpu.memory_space<vmem>>)
      "tpu.region"() ({
        %run_scoped3A = tpu.sem_alloc : memref<!tpu.dma_semaphore, #tpu.memory_space<semaphore_mem>>
        %dma_start3A_61 = arith.constant 0 : i32
        %dma_start3A_62 = tpu.memref_slice %arg8[%mul3A_37, %dma_start3A_61] : memref<40x128xi32, #tpu.memory_space<vmem>> -> memref<1x128xi32, #tpu.memory_space<vmem>>
        %dma_start3A_63 = tpu.memref_squeeze %dma_start3A_62 : memref<1x128xi32, #tpu.memory_space<vmem>> -> memref<128xi32, #tpu.memory_space<vmem>>
        %dma_start3A_64 = arith.constant 0 : i32
        %dma_start3A_65 = arith.constant 0 : i32
        %dma_start3A_66 = tpu.memref_slice %arg11[%dma_start3A_64, %dma_start3A_65] : memref<10240x64xf32, #tpu.memory_space<vmem_shared>> -> memref<10240x64xf32, #tpu.memory_space<vmem_shared>>
        tpu.enqueue_indirect_dma source(%arg9 : memref<128x64xf32, #tpu.memory_space<vmem>>) target(%dma_start3A_66 : memref<10240x64xf32, #tpu.memory_space<vmem_shared>>) offsets(%dma_start3A_63 : memref<128xi32, #tpu.memory_space<vmem>>) semaphore(%run_scoped3A : memref<!tpu.dma_semaphore, #tpu.memory_space<semaphore_mem>>) {add = true}
        %dma_wait3A_67 = arith.constant 0 : i32
        %dma_wait3A_68 = tpu.memref_slice %arg8[%mul3A_37, %dma_wait3A_67] : memref<40x128xi32, #tpu.memory_space<vmem>> -> memref<1x128xi32, #tpu.memory_space<vmem>>
        %dma_wait3A_69 = tpu.memref_squeeze %dma_wait3A_68 : memref<1x128xi32, #tpu.memory_space<vmem>> -> memref<128xi32, #tpu.memory_space<vmem>>
        %dma_wait3A_70 = arith.constant 0 : i32
        %dma_wait3A_71 = arith.constant 0 : i32
        %dma_wait3A_72 = tpu.memref_slice %arg11[%dma_wait3A_70, %dma_wait3A_71] : memref<10240x64xf32, #tpu.memory_space<vmem_shared>> -> memref<10240x64xf32, #tpu.memory_space<vmem_shared>>
        tpu.wait_indirect_dma semaphore(%run_scoped3A : memref<!tpu.dma_semaphore, #tpu.memory_space<semaphore_mem>>) src(%arg9 : memref<128x64xf32, #tpu.memory_space<vmem>>) dst(%dma_wait3A_72 : memref<10240x64xf32, #tpu.memory_space<vmem_shared>>)
        tpu.yield
      }) : () -> ()
      %lt3A = arith.constant 40 : i32
      %lt3A_53 = arith.cmpi slt, %add3A_41, %lt3A : i32
      %convert_element_type3A = arith.extui %lt3A_53 : i1 to i32
      %cond3A = arith.constant 0 : i32
      %cond3A_54 = arith.cmpi ne, %convert_element_type3A, %cond3A : i32
      scf.if %cond3A_54 {
        %dma_start3A_61 = arith.constant 0 : i32
        %dma_start3A_62 = tpu.memref_slice %arg7[%add3A_41, %dma_start3A_61] : memref<40x128xi32, #tpu.memory_space<vmem>> -> memref<1x128xi32, #tpu.memory_space<vmem>>
        %dma_start3A_63 = tpu.memref_squeeze %dma_start3A_62 : memref<1x128xi32, #tpu.memory_space<vmem>> -> memref<128xi32, #tpu.memory_space<vmem>>
        %dma_start3A_64 = arith.constant 0 : i32
        %dma_start3A_65 = arith.constant 0 : i32
        %dma_start3A_66 = tpu.memref_slice %arg2[%dma_start3A_64, %dma_start3A_65] : memref<10000x64xf32, #tpu.memory_space<hbm>> -> memref<10000x64xf32, #tpu.memory_space<hbm>>
        tpu.enqueue_indirect_dma source(%dma_start3A_66 : memref<10000x64xf32, #tpu.memory_space<hbm>>) target(%arg9 : memref<128x64xf32, #tpu.memory_space<vmem>>) offsets(%dma_start3A_63 : memref<128xi32, #tpu.memory_space<vmem>>) semaphore(%arg12 : memref<!tpu.dma_semaphore, #tpu.memory_space<semaphore_mem>>)
      } else {
      }
      %dma_wait3A_55 = arith.constant 0 : i32
      %dma_wait3A_56 = tpu.memref_slice %arg7[%add3A_39, %dma_wait3A_55] : memref<40x128xi32, #tpu.memory_space<vmem>> -> memref<1x128xi32, #tpu.memory_space<vmem>>
      %dma_wait3A_57 = tpu.memref_squeeze %dma_wait3A_56 : memref<1x128xi32, #tpu.memory_space<vmem>> -> memref<128xi32, #tpu.memory_space<vmem>>
      %dma_wait3A_58 = arith.constant 0 : i32
      %dma_wait3A_59 = arith.constant 0 : i32
      %dma_wait3A_60 = tpu.memref_slice %arg2[%dma_wait3A_58, %dma_wait3A_59] : memref<10000x64xf32, #tpu.memory_space<hbm>> -> memref<10000x64xf32, #tpu.memory_space<hbm>>
      tpu.wait_indirect_dma semaphore(%arg13 : memref<!tpu.dma_semaphore, #tpu.memory_space<semaphore_mem>>) src(%dma_wait3A_60 : memref<10000x64xf32, #tpu.memory_space<hbm>>) dst(%arg10 : memref<128x64xf32, #tpu.memory_space<vmem>>)
      "tpu.region"() ({
        %run_scoped3A = tpu.sem_alloc : memref<!tpu.dma_semaphore, #tpu.memory_space<semaphore_mem>>
        %dma_start3A_61 = arith.constant 0 : i32
        %dma_start3A_62 = tpu.memref_slice %arg8[%add3A_39, %dma_start3A_61] : memref<40x128xi32, #tpu.memory_space<vmem>> -> memref<1x128xi32, #tpu.memory_space<vmem>>
        %dma_start3A_63 = tpu.memref_squeeze %dma_start3A_62 : memref<1x128xi32, #tpu.memory_space<vmem>> -> memref<128xi32, #tpu.memory_space<vmem>>
        %dma_start3A_64 = arith.constant 0 : i32
        %dma_start3A_65 = arith.constant 0 : i32
        %dma_start3A_66 = tpu.memref_slice %arg11[%dma_start3A_64, %dma_start3A_65] : memref<10240x64xf32, #tpu.memory_space<vmem_shared>> -> memref<10240x64xf32, #tpu.memory_space<vmem_shared>>
        tpu.enqueue_indirect_dma source(%arg10 : memref<128x64xf32, #tpu.memory_space<vmem>>) target(%dma_start3A_66 : memref<10240x64xf32, #tpu.memory_space<vmem_shared>>) offsets(%dma_start3A_63 : memref<128xi32, #tpu.memory_space<vmem>>) semaphore(%run_scoped3A : memref<!tpu.dma_semaphore, #tpu.memory_space<semaphore_mem>>) {add = true}
        %dma_wait3A_67 = arith.constant 0 : i32
        %dma_wait3A_68 = tpu.memref_slice %arg8[%add3A_39, %dma_wait3A_67] : memref<40x128xi32, #tpu.memory_space<vmem>> -> memref<1x128xi32, #tpu.memory_space<vmem>>
        %dma_wait3A_69 = tpu.memref_squeeze %dma_wait3A_68 : memref<1x128xi32, #tpu.memory_space<vmem>> -> memref<128xi32, #tpu.memory_space<vmem>>
        %dma_wait3A_70 = arith.constant 0 : i32
        %dma_wait3A_71 = arith.constant 0 : i32
        %dma_wait3A_72 = tpu.memref_slice %arg11[%dma_wait3A_70, %dma_wait3A_71] : memref<10240x64xf32, #tpu.memory_space<vmem_shared>> -> memref<10240x64xf32, #tpu.memory_space<vmem_shared>>
        tpu.wait_indirect_dma semaphore(%run_scoped3A : memref<!tpu.dma_semaphore, #tpu.memory_space<semaphore_mem>>) src(%arg10 : memref<128x64xf32, #tpu.memory_space<vmem>>) dst(%dma_wait3A_72 : memref<10240x64xf32, #tpu.memory_space<vmem_shared>>)
        tpu.yield
      }) : () -> ()
    }
    %scan3A_13 = arith.constant 20 : i32
    "tpu.region"() ({
      %run_scoped3A = tpu.sem_alloc : memref<!tpu.dma_semaphore, #tpu.memory_space<semaphore_mem>>
      %dma_start3A_35 = arith.constant 40 : i32
      %dma_start3A_36 = arith.constant 0 : i32
      %dma_start3A_37 = tpu.memref_slice %arg3[%add3A, %dma_start3A_35, %dma_start3A_36] : memref<32x80x128xi32, #tpu.memory_space<hbm>> -> memref<1x40x128xi32, #tpu.memory_space<hbm>>
      %dma_start3A_38 = tpu.memref_squeeze %dma_start3A_37 : memref<1x40x128xi32, #tpu.memory_space<hbm>> -> memref<40x128xi32, #tpu.memory_space<hbm>>
      %dma_start3A_39 = arith.constant 40 : i32
      %dma_start3A_40 = arith.constant 0 : i32
      %dma_start3A_41 = tpu.memref_slice %arg3[%add3A, %dma_start3A_39, %dma_start3A_40] : memref<32x80x128xi32, #tpu.memory_space<hbm>> -> memref<1x40x128xi32, #tpu.memory_space<hbm>>
      %dma_start3A_42 = tpu.memref_squeeze %dma_start3A_41 : memref<1x40x128xi32, #tpu.memory_space<hbm>> -> memref<40x128xi32, #tpu.memory_space<hbm>>
      tpu.enqueue_dma source(%dma_start3A_42 : memref<40x128xi32, #tpu.memory_space<hbm>>) target(%arg7 : memref<40x128xi32, #tpu.memory_space<vmem>>) target_semaphore(%run_scoped3A : memref<!tpu.dma_semaphore, #tpu.memory_space<semaphore_mem>>)
      %dma_wait3A = arith.constant 40 : i32
      %dma_wait3A_43 = arith.constant 0 : i32
      %dma_wait3A_44 = tpu.memref_slice %arg3[%add3A, %dma_wait3A, %dma_wait3A_43] : memref<32x80x128xi32, #tpu.memory_space<hbm>> -> memref<1x40x128xi32, #tpu.memory_space<hbm>>
      %dma_wait3A_45 = tpu.memref_squeeze %dma_wait3A_44 : memref<1x40x128xi32, #tpu.memory_space<hbm>> -> memref<40x128xi32, #tpu.memory_space<hbm>>
      %dma_wait3A_46 = arith.constant 40 : i32
      %dma_wait3A_47 = arith.constant 0 : i32
      %dma_wait3A_48 = tpu.memref_slice %arg3[%add3A, %dma_wait3A_46, %dma_wait3A_47] : memref<32x80x128xi32, #tpu.memory_space<hbm>> -> memref<1x40x128xi32, #tpu.memory_space<hbm>>
      %dma_wait3A_49 = tpu.memref_squeeze %dma_wait3A_48 : memref<1x40x128xi32, #tpu.memory_space<hbm>> -> memref<40x128xi32, #tpu.memory_space<hbm>>
      tpu.wait_dma2 semaphore(%run_scoped3A : memref<!tpu.dma_semaphore, #tpu.memory_space<semaphore_mem>>) src(%dma_wait3A_49 : memref<40x128xi32, #tpu.memory_space<hbm>>) dst(%arg7 : memref<40x128xi32, #tpu.memory_space<vmem>>)
      tpu.yield
    }) : () -> ()
    "tpu.region"() ({
      %run_scoped3A = tpu.sem_alloc : memref<!tpu.dma_semaphore, #tpu.memory_space<semaphore_mem>>
      %dma_start3A_35 = arith.constant 40 : i32
      %dma_start3A_36 = arith.constant 0 : i32
      %dma_start3A_37 = tpu.memref_slice %arg4[%add3A, %dma_start3A_35, %dma_start3A_36] : memref<32x80x128xi32, #tpu.memory_space<hbm>> -> memref<1x40x128xi32, #tpu.memory_space<hbm>>
      %dma_start3A_38 = tpu.memref_squeeze %dma_start3A_37 : memref<1x40x128xi32, #tpu.memory_space<hbm>> -> memref<40x128xi32, #tpu.memory_space<hbm>>
      %dma_start3A_39 = arith.constant 40 : i32
      %dma_start3A_40 = arith.constant 0 : i32
      %dma_start3A_41 = tpu.memref_slice %arg4[%add3A, %dma_start3A_39, %dma_start3A_40] : memref<32x80x128xi32, #tpu.memory_space<hbm>> -> memref<1x40x128xi32, #tpu.memory_space<hbm>>
      %dma_start3A_42 = tpu.memref_squeeze %dma_start3A_41 : memref<1x40x128xi32, #tpu.memory_space<hbm>> -> memref<40x128xi32, #tpu.memory_space<hbm>>
      tpu.enqueue_dma source(%dma_start3A_42 : memref<40x128xi32, #tpu.memory_space<hbm>>) target(%arg8 : memref<40x128xi32, #tpu.memory_space<vmem>>) target_semaphore(%run_scoped3A : memref<!tpu.dma_semaphore, #tpu.memory_space<semaphore_mem>>)
      %dma_wait3A = arith.constant 40 : i32
      %dma_wait3A_43 = arith.constant 0 : i32
      %dma_wait3A_44 = tpu.memref_slice %arg4[%add3A, %dma_wait3A, %dma_wait3A_43] : memref<32x80x128xi32, #tpu.memory_space<hbm>> -> memref<1x40x128xi32, #tpu.memory_space<hbm>>
      %dma_wait3A_45 = tpu.memref_squeeze %dma_wait3A_44 : memref<1x40x128xi32, #tpu.memory_space<hbm>> -> memref<40x128xi32, #tpu.memory_space<hbm>>
      %dma_wait3A_46 = arith.constant 40 : i32
      %dma_wait3A_47 = arith.constant 0 : i32
      %dma_wait3A_48 = tpu.memref_slice %arg4[%add3A, %dma_wait3A_46, %dma_wait3A_47] : memref<32x80x128xi32, #tpu.memory_space<hbm>> -> memref<1x40x128xi32, #tpu.memory_space<hbm>>
      %dma_wait3A_49 = tpu.memref_squeeze %dma_wait3A_48 : memref<1x40x128xi32, #tpu.memory_space<hbm>> -> memref<40x128xi32, #tpu.memory_space<hbm>>
      tpu.wait_dma2 semaphore(%run_scoped3A : memref<!tpu.dma_semaphore, #tpu.memory_space<semaphore_mem>>) src(%dma_wait3A_49 : memref<40x128xi32, #tpu.memory_space<hbm>>) dst(%arg8 : memref<40x128xi32, #tpu.memory_space<vmem>>)
      tpu.yield
    }) : () -> ()
    %dma_start3A_14 = arith.constant 0 : i32
    %dma_start3A_15 = arith.constant 0 : i32
    %dma_start3A_16 = tpu.memref_slice %arg7[%dma_start3A_14, %dma_start3A_15] : memref<40x128xi32, #tpu.memory_space<vmem>> -> memref<1x128xi32, #tpu.memory_space<vmem>>
    %dma_start3A_17 = tpu.memref_squeeze %dma_start3A_16 : memref<1x128xi32, #tpu.memory_space<vmem>> -> memref<128xi32, #tpu.memory_space<vmem>>
    %dma_start3A_18 = arith.constant 0 : i32
    %dma_start3A_19 = arith.constant 0 : i32
    %dma_start3A_20 = tpu.memref_slice %arg2[%dma_start3A_18, %dma_start3A_19] : memref<10000x64xf32, #tpu.memory_space<hbm>> -> memref<10000x64xf32, #tpu.memory_space<hbm>>
    tpu.enqueue_indirect_dma source(%dma_start3A_20 : memref<10000x64xf32, #tpu.memory_space<hbm>>) target(%arg9 : memref<128x64xf32, #tpu.memory_space<vmem>>) offsets(%dma_start3A_17 : memref<128xi32, #tpu.memory_space<vmem>>) semaphore(%arg12 : memref<!tpu.dma_semaphore, #tpu.memory_space<semaphore_mem>>)
    %scan3A_21 = arith.constant 0 : i32
    %scan3A_22 = arith.constant 0 : i32
    %scan3A_23 = arith.constant 20 : i32
    %scan3A_24 = arith.addi %scan3A_22, %scan3A_23 : i32
    %scan3A_25 = arith.constant 1 : i32
    scf.for %scan3A_35 = %scan3A_22 to %scan3A_24 step %scan3A_25  : i32 {
      %mul3A_36 = arith.constant 2 : i32
      %mul3A_37 = arith.muli %mul3A_36, %scan3A_35 : i32
      %add3A_38 = arith.constant 1 : i32
      %add3A_39 = arith.addi %mul3A_37, %add3A_38 : i32
      %add3A_40 = arith.constant 2 : i32
      %add3A_41 = arith.addi %mul3A_37, %add3A_40 : i32
      %dma_start3A_42 = arith.constant 0 : i32
      %dma_start3A_43 = tpu.memref_slice %arg7[%add3A_39, %dma_start3A_42] : memref<40x128xi32, #tpu.memory_space<vmem>> -> memref<1x128xi32, #tpu.memory_space<vmem>>
      %dma_start3A_44 = tpu.memref_squeeze %dma_start3A_43 : memref<1x128xi32, #tpu.memory_space<vmem>> -> memref<128xi32, #tpu.memory_space<vmem>>
      %dma_start3A_45 = arith.constant 0 : i32
      %dma_start3A_46 = arith.constant 0 : i32
      %dma_start3A_47 = tpu.memref_slice %arg2[%dma_start3A_45, %dma_start3A_46] : memref<10000x64xf32, #tpu.memory_space<hbm>> -> memref<10000x64xf32, #tpu.memory_space<hbm>>
      tpu.enqueue_indirect_dma source(%dma_start3A_47 : memref<10000x64xf32, #tpu.memory_space<hbm>>) target(%arg10 : memref<128x64xf32, #tpu.memory_space<vmem>>) offsets(%dma_start3A_44 : memref<128xi32, #tpu.memory_space<vmem>>) semaphore(%arg13 : memref<!tpu.dma_semaphore, #tpu.memory_space<semaphore_mem>>)
      %dma_wait3A = arith.constant 0 : i32
      %dma_wait3A_48 = tpu.memref_slice %arg7[%mul3A_37, %dma_wait3A] : memref<40x128xi32, #tpu.memory_space<vmem>> -> memref<1x128xi32, #tpu.memory_space<vmem>>
      %dma_wait3A_49 = tpu.memref_squeeze %dma_wait3A_48 : memref<1x128xi32, #tpu.memory_space<vmem>> -> memref<128xi32, #tpu.memory_space<vmem>>
      %dma_wait3A_50 = arith.constant 0 : i32
      %dma_wait3A_51 = arith.constant 0 : i32
      %dma_wait3A_52 = tpu.memref_slice %arg2[%dma_wait3A_50, %dma_wait3A_51] : memref<10000x64xf32, #tpu.memory_space<hbm>> -> memref<10000x64xf32, #tpu.memory_space<hbm>>
      tpu.wait_indirect_dma semaphore(%arg12 : memref<!tpu.dma_semaphore, #tpu.memory_space<semaphore_mem>>) src(%dma_wait3A_52 : memref<10000x64xf32, #tpu.memory_space<hbm>>) dst(%arg9 : memref<128x64xf32, #tpu.memory_space<vmem>>)
      "tpu.region"() ({
        %run_scoped3A = tpu.sem_alloc : memref<!tpu.dma_semaphore, #tpu.memory_space<semaphore_mem>>
        %dma_start3A_61 = arith.constant 0 : i32
        %dma_start3A_62 = tpu.memref_slice %arg8[%mul3A_37, %dma_start3A_61] : memref<40x128xi32, #tpu.memory_space<vmem>> -> memref<1x128xi32, #tpu.memory_space<vmem>>
        %dma_start3A_63 = tpu.memref_squeeze %dma_start3A_62 : memref<1x128xi32, #tpu.memory_space<vmem>> -> memref<128xi32, #tpu.memory_space<vmem>>
        %dma_start3A_64 = arith.constant 0 : i32
        %dma_start3A_65 = arith.constant 0 : i32
        %dma_start3A_66 = tpu.memref_slice %arg11[%dma_start3A_64, %dma_start3A_65] : memref<10240x64xf32, #tpu.memory_space<vmem_shared>> -> memref<10240x64xf32, #tpu.memory_space<vmem_shared>>
        tpu.enqueue_indirect_dma source(%arg9 : memref<128x64xf32, #tpu.memory_space<vmem>>) target(%dma_start3A_66 : memref<10240x64xf32, #tpu.memory_space<vmem_shared>>) offsets(%dma_start3A_63 : memref<128xi32, #tpu.memory_space<vmem>>) semaphore(%run_scoped3A : memref<!tpu.dma_semaphore, #tpu.memory_space<semaphore_mem>>) {add = true}
        %dma_wait3A_67 = arith.constant 0 : i32
        %dma_wait3A_68 = tpu.memref_slice %arg8[%mul3A_37, %dma_wait3A_67] : memref<40x128xi32, #tpu.memory_space<vmem>> -> memref<1x128xi32, #tpu.memory_space<vmem>>
        %dma_wait3A_69 = tpu.memref_squeeze %dma_wait3A_68 : memref<1x128xi32, #tpu.memory_space<vmem>> -> memref<128xi32, #tpu.memory_space<vmem>>
        %dma_wait3A_70 = arith.constant 0 : i32
        %dma_wait3A_71 = arith.constant 0 : i32
        %dma_wait3A_72 = tpu.memref_slice %arg11[%dma_wait3A_70, %dma_wait3A_71] : memref<10240x64xf32, #tpu.memory_space<vmem_shared>> -> memref<10240x64xf32, #tpu.memory_space<vmem_shared>>
        tpu.wait_indirect_dma semaphore(%run_scoped3A : memref<!tpu.dma_semaphore, #tpu.memory_space<semaphore_mem>>) src(%arg9 : memref<128x64xf32, #tpu.memory_space<vmem>>) dst(%dma_wait3A_72 : memref<10240x64xf32, #tpu.memory_space<vmem_shared>>)
        tpu.yield
      }) : () -> ()
      %lt3A = arith.constant 40 : i32
      %lt3A_53 = arith.cmpi slt, %add3A_41, %lt3A : i32
      %convert_element_type3A = arith.extui %lt3A_53 : i1 to i32
      %cond3A = arith.constant 0 : i32
      %cond3A_54 = arith.cmpi ne, %convert_element_type3A, %cond3A : i32
      scf.if %cond3A_54 {
        %dma_start3A_61 = arith.constant 0 : i32
        %dma_start3A_62 = tpu.memref_slice %arg7[%add3A_41, %dma_start3A_61] : memref<40x128xi32, #tpu.memory_space<vmem>> -> memref<1x128xi32, #tpu.memory_space<vmem>>
        %dma_start3A_63 = tpu.memref_squeeze %dma_start3A_62 : memref<1x128xi32, #tpu.memory_space<vmem>> -> memref<128xi32, #tpu.memory_space<vmem>>
        %dma_start3A_64 = arith.constant 0 : i32
        %dma_start3A_65 = arith.constant 0 : i32
        %dma_start3A_66 = tpu.memref_slice %arg2[%dma_start3A_64, %dma_start3A_65] : memref<10000x64xf32, #tpu.memory_space<hbm>> -> memref<10000x64xf32, #tpu.memory_space<hbm>>
        tpu.enqueue_indirect_dma source(%dma_start3A_66 : memref<10000x64xf32, #tpu.memory_space<hbm>>) target(%arg9 : memref<128x64xf32, #tpu.memory_space<vmem>>) offsets(%dma_start3A_63 : memref<128xi32, #tpu.memory_space<vmem>>) semaphore(%arg12 : memref<!tpu.dma_semaphore, #tpu.memory_space<semaphore_mem>>)
      } else {
      }
      %dma_wait3A_55 = arith.constant 0 : i32
      %dma_wait3A_56 = tpu.memref_slice %arg7[%add3A_39, %dma_wait3A_55] : memref<40x128xi32, #tpu.memory_space<vmem>> -> memref<1x128xi32, #tpu.memory_space<vmem>>
      %dma_wait3A_57 = tpu.memref_squeeze %dma_wait3A_56 : memref<1x128xi32, #tpu.memory_space<vmem>> -> memref<128xi32, #tpu.memory_space<vmem>>
      %dma_wait3A_58 = arith.constant 0 : i32
      %dma_wait3A_59 = arith.constant 0 : i32
      %dma_wait3A_60 = tpu.memref_slice %arg2[%dma_wait3A_58, %dma_wait3A_59] : memref<10000x64xf32, #tpu.memory_space<hbm>> -> memref<10000x64xf32, #tpu.memory_space<hbm>>
      tpu.wait_indirect_dma semaphore(%arg13 : memref<!tpu.dma_semaphore, #tpu.memory_space<semaphore_mem>>) src(%dma_wait3A_60 : memref<10000x64xf32, #tpu.memory_space<hbm>>) dst(%arg10 : memref<128x64xf32, #tpu.memory_space<vmem>>)
      "tpu.region"() ({
        %run_scoped3A = tpu.sem_alloc : memref<!tpu.dma_semaphore, #tpu.memory_space<semaphore_mem>>
        %dma_start3A_61 = arith.constant 0 : i32
        %dma_start3A_62 = tpu.memref_slice %arg8[%add3A_39, %dma_start3A_61] : memref<40x128xi32, #tpu.memory_space<vmem>> -> memref<1x128xi32, #tpu.memory_space<vmem>>
        %dma_start3A_63 = tpu.memref_squeeze %dma_start3A_62 : memref<1x128xi32, #tpu.memory_space<vmem>> -> memref<128xi32, #tpu.memory_space<vmem>>
        %dma_start3A_64 = arith.constant 0 : i32
        %dma_start3A_65 = arith.constant 0 : i32
        %dma_start3A_66 = tpu.memref_slice %arg11[%dma_start3A_64, %dma_start3A_65] : memref<10240x64xf32, #tpu.memory_space<vmem_shared>> -> memref<10240x64xf32, #tpu.memory_space<vmem_shared>>
        tpu.enqueue_indirect_dma source(%arg10 : memref<128x64xf32, #tpu.memory_space<vmem>>) target(%dma_start3A_66 : memref<10240x64xf32, #tpu.memory_space<vmem_shared>>) offsets(%dma_start3A_63 : memref<128xi32, #tpu.memory_space<vmem>>) semaphore(%run_scoped3A : memref<!tpu.dma_semaphore, #tpu.memory_space<semaphore_mem>>) {add = true}
        %dma_wait3A_67 = arith.constant 0 : i32
        %dma_wait3A_68 = tpu.memref_slice %arg8[%add3A_39, %dma_wait3A_67] : memref<40x128xi32, #tpu.memory_space<vmem>> -> memref<1x128xi32, #tpu.memory_space<vmem>>
        %dma_wait3A_69 = tpu.memref_squeeze %dma_wait3A_68 : memref<1x128xi32, #tpu.memory_space<vmem>> -> memref<128xi32, #tpu.memory_space<vmem>>
        %dma_wait3A_70 = arith.constant 0 : i32
        %dma_wait3A_71 = arith.constant 0 : i32
        %dma_wait3A_72 = tpu.memref_slice %arg11[%dma_wait3A_70, %dma_wait3A_71] : memref<10240x64xf32, #tpu.memory_space<vmem_shared>> -> memref<10240x64xf32, #tpu.memory_space<vmem_shared>>
        tpu.wait_indirect_dma semaphore(%run_scoped3A : memref<!tpu.dma_semaphore, #tpu.memory_space<semaphore_mem>>) src(%arg10 : memref<128x64xf32, #tpu.memory_space<vmem>>) dst(%dma_wait3A_72 : memref<10240x64xf32, #tpu.memory_space<vmem_shared>>)
        tpu.yield
      }) : () -> ()
    }
    %scan3A_26 = arith.constant 20 : i32
    %barrier3A_27 = arith.constant 0 : index
    tpu.barrier barrier_id(%barrier3A_27)
    %mul3A_28 = arith.constant 640 : i32
    %mul3A_29 = arith.muli %arg1, %mul3A_28 : i32
    %mul3A_30 = arith.constant 10240 : i32
    %mul3A_31 = arith.muli %arg0, %mul3A_30 : i32
    %mul3A_32 = arith.constant 640 : i32
    %mul3A_33 = arith.muli %arg1, %mul3A_32 : i32
    %add3A_34 = arith.addi %mul3A_31, %mul3A_33 : i32
    "tpu.region"() ({
      %run_scoped3A = tpu.sem_alloc : memref<!tpu.dma_semaphore, #tpu.memory_space<semaphore_mem>>
      %dma_start3A_35 = arith.constant 0 : i32
      %dma_start3A_36 = tpu.memref_slice %arg6[%add3A_34, %dma_start3A_35] : memref<20480x64xf32, #tpu.memory_space<hbm>> -> memref<640x64xf32, #tpu.memory_space<hbm>>
      %dma_start3A_37 = arith.constant 0 : i32
      %dma_start3A_38 = tpu.memref_slice %arg11[%mul3A_29, %dma_start3A_37] : memref<10240x64xf32, #tpu.memory_space<vmem_shared>> -> memref<640x64xf32, #tpu.memory_space<vmem_shared>>
      tpu.enqueue_dma source(%dma_start3A_38 : memref<640x64xf32, #tpu.memory_space<vmem_shared>>) target(%dma_start3A_36 : memref<640x64xf32, #tpu.memory_space<hbm>>) target_semaphore(%run_scoped3A : memref<!tpu.dma_semaphore, #tpu.memory_space<semaphore_mem>>)
      %dma_wait3A = arith.constant 0 : i32
      %dma_wait3A_39 = tpu.memref_slice %arg6[%add3A_34, %dma_wait3A] : memref<20480x64xf32, #tpu.memory_space<hbm>> -> memref<640x64xf32, #tpu.memory_space<hbm>>
      %dma_wait3A_40 = arith.constant 0 : i32
      %dma_wait3A_41 = tpu.memref_slice %arg11[%mul3A_29, %dma_wait3A_40] : memref<10240x64xf32, #tpu.memory_space<vmem_shared>> -> memref<640x64xf32, #tpu.memory_space<vmem_shared>>
      tpu.wait_dma2 semaphore(%run_scoped3A : memref<!tpu.dma_semaphore, #tpu.memory_space<semaphore_mem>>) src(%dma_wait3A_41 : memref<640x64xf32, #tpu.memory_space<vmem_shared>>) dst(%dma_wait3A_39 : memref<640x64xf32, #tpu.memory_space<hbm>>)
      tpu.yield
    }) : () -> ()
    return
  }
}

module attributes {stable_mosaic.version = 14 : i64} {
  func.func @body(%arg0: i32, %arg1: memref<1000x1xf32, #tpu.memory_space<vmem>>, %arg2: memref<1000x1xf32, #tpu.memory_space<vmem>>, %arg3: memref<1000x128xf32, #tpu.memory_space<vmem>>, %arg4: memref<1000x1xf32, #tpu.memory_space<vmem>>, %arg5: memref<1000x128xf32, #tpu.memory_space<vmem>>) attributes {dimension_semantics = [#tpu.dimension_semantics<arbitrary>], iteration_bounds = array<i64: 10>, scalar_prefetch = 0 : i64, scratch_operands = 0 : i64, tpu.core_type = #tpu.core_type<tc>, window_params = [{transform_indices = @transform_0, window_bounds = array<i64: 1000, 1>}, {transform_indices = @transform_1, window_bounds = array<i64: 1000, 1>}, {transform_indices = @transform_2, window_bounds = array<i64: 1000, 128>}, {transform_indices = @transform_3, window_bounds = array<i64: 1000, 1>}, {transform_indices = @transform_4, window_bounds = array<i64: 1000, 128>}]} {
    %get3A = arith.constant 0 : index
    %get3A_0 = arith.constant 0 : index
    %get3A_1 = vector.load %arg1[%get3A, %get3A_0] : memref<1000x1xf32, #tpu.memory_space<vmem>>, vector<1000x1xf32>
    %get3A_2 = arith.constant 0 : index
    %get3A_3 = arith.constant 0 : index
    %get3A_4 = vector.load %arg2[%get3A_2, %get3A_3] : memref<1000x1xf32, #tpu.memory_space<vmem>>, vector<1000x1xf32>
    %add3A = arith.addf %get3A_1, %get3A_4 : vector<1000x1xf32>
    %add3A_5 = arith.constant 1.000000e+00 : f32
    %add3A_6 = vector.broadcast %add3A_5 : f32 to vector<1000x1xf32>
    %add3A_7 = arith.addf %add3A, %add3A_6 : vector<1000x1xf32>
    %rsqrt3A = math.rsqrt %add3A_7 : vector<1000x1xf32>
    %swap3A = arith.constant 0 : index
    %swap3A_8 = arith.constant 0 : index
    %swap3A_9 = vector.load %arg4[%swap3A, %swap3A_8] : memref<1000x1xf32, #tpu.memory_space<vmem>>, vector<1000x1xf32>
    tpu.vector_store %arg4[%swap3A, %swap3A_8], %rsqrt3A {strides = array<i32>} : memref<1000x1xf32, #tpu.memory_space<vmem>>, vector<1000x1xf32>,
    %get3A_10 = arith.constant 0 : index
    %get3A_11 = arith.constant 0 : index
    %get3A_12 = vector.load %arg3[%get3A_10, %get3A_11] : memref<1000x128xf32, #tpu.memory_space<vmem>>, vector<1000x128xf32>
    %mul3A = vector.broadcast %rsqrt3A : vector<1000x1xf32> to vector<1000x128xf32>
    %mul3A_13 = arith.mulf %get3A_12, %mul3A : vector<1000x128xf32>
    %swap3A_14 = arith.constant 0 : index
    %swap3A_15 = arith.constant 0 : index
    %swap3A_16 = vector.load %arg5[%swap3A_14, %swap3A_15] : memref<1000x128xf32, #tpu.memory_space<vmem>>, vector<1000x128xf32>
    tpu.vector_store %arg5[%swap3A_14, %swap3A_15], %mul3A_13 {strides = array<i32>} : memref<1000x128xf32, #tpu.memory_space<vmem>>, vector<1000x128xf32>,
    return
  }
  func.func @transform_0(%arg0: i32) -> (i32, i32) {
    %c0_i32 = arith.constant 0 : i32
    %c0_i32_0 = arith.constant 0 : i32
    return %arg0, %c0_i32 : i32, i32
  }
  func.func @transform_1(%arg0: i32) -> (i32, i32) {
    %c0_i32 = arith.constant 0 : i32
    %c0_i32_0 = arith.constant 0 : i32
    return %arg0, %c0_i32 : i32, i32
  }
  func.func @transform_2(%arg0: i32) -> (i32, i32) {
    %c0_i32 = arith.constant 0 : i32
    %c0_i32_0 = arith.constant 0 : i32
    return %arg0, %c0_i32 : i32, i32
  }
  func.func @transform_3(%arg0: i32) -> (i32, i32) {
    %c0_i32 = arith.constant 0 : i32
    %c0_i32_0 = arith.constant 0 : i32
    return %arg0, %c0_i32 : i32, i32
  }
  func.func @transform_4(%arg0: i32) -> (i32, i32) {
    %c0_i32 = arith.constant 0 : i32
    %c0_i32_0 = arith.constant 0 : i32
    return %arg0, %c0_i32 : i32, i32
  }
}

module attributes {stable_mosaic.version = 14 : i64} {
  func.func @body(%arg0: i32, %arg1: memref<1000x128xf32, #tpu.memory_space<vmem>>, %arg2: memref<1000x128xf32, #tpu.memory_space<vmem>>, %arg3: memref<1000x1xf32, #tpu.memory_space<vmem>>, %arg4: memref<1000x128xf32, #tpu.memory_space<vmem>>, %arg5: memref<128x256xf32, #tpu.memory_space<vmem>>, %arg6: memref<1x256xf32, #tpu.memory_space<vmem>>, %arg7: memref<256x64xf32, #tpu.memory_space<vmem>>, %arg8: memref<1000x64xf32, #tpu.memory_space<vmem>>, %arg9: memref<1000x64xf32, #tpu.memory_space<vmem>>) attributes {dimension_semantics = [#tpu.dimension_semantics<arbitrary>], iteration_bounds = array<i64: 10>, scalar_prefetch = 0 : i64, scratch_operands = 0 : i64, tpu.core_type = #tpu.core_type<tc>, window_params = [{transform_indices = @transform_0, window_bounds = array<i64: 1000, 128>}, {transform_indices = @transform_1, window_bounds = array<i64: 1000, 128>}, {transform_indices = @transform_2, window_bounds = array<i64: 1000, 1>}, {transform_indices = @transform_3, window_bounds = array<i64: 1000, 128>}, {pipeline_mode = #tpu.pipeline_mode<synchronous>, transform_indices = @transform_4, window_bounds = array<i64: 128, 256>}, {pipeline_mode = #tpu.pipeline_mode<synchronous>, transform_indices = @transform_5, window_bounds = array<i64: 1, 256>}, {pipeline_mode = #tpu.pipeline_mode<synchronous>, transform_indices = @transform_6, window_bounds = array<i64: 256, 64>}, {transform_indices = @transform_7, window_bounds = array<i64: 1000, 64>}, {transform_indices = @transform_8, window_bounds = array<i64: 1000, 64>}]} {
    %get3A = arith.constant 0 : index
    %get3A_0 = arith.constant 0 : index
    %get3A_1 = vector.load %arg3[%get3A, %get3A_0] : memref<1000x1xf32, #tpu.memory_space<vmem>>, vector<1000x1xf32>
    %get3A_2 = arith.constant 0 : index
    %get3A_3 = arith.constant 0 : index
    %get3A_4 = vector.load %arg1[%get3A_2, %get3A_3] : memref<1000x128xf32, #tpu.memory_space<vmem>>, vector<1000x128xf32>
    %get3A_5 = arith.constant 0 : index
    %get3A_6 = arith.constant 0 : index
    %get3A_7 = vector.load %arg2[%get3A_5, %get3A_6] : memref<1000x128xf32, #tpu.memory_space<vmem>>, vector<1000x128xf32>
    %add3A = arith.addf %get3A_4, %get3A_7 : vector<1000x128xf32>
    %get3A_8 = arith.constant 0 : index
    %get3A_9 = arith.constant 0 : index
    %get3A_10 = vector.load %arg4[%get3A_8, %get3A_9] : memref<1000x128xf32, #tpu.memory_space<vmem>>, vector<1000x128xf32>
    %mul3A = vector.broadcast %get3A_1 : vector<1000x1xf32> to vector<1000x128xf32>
    %mul3A_11 = arith.mulf %mul3A, %get3A_10 : vector<1000x128xf32>
    %add3A_12 = arith.addf %add3A, %mul3A_11 : vector<1000x128xf32>
    %mul3A_13 = vector.broadcast %get3A_1 : vector<1000x1xf32> to vector<1000x128xf32>
    %mul3A_14 = arith.mulf %mul3A_13, %add3A_12 : vector<1000x128xf32>
    %get3A_15 = arith.constant 0 : index
    %get3A_16 = arith.constant 0 : index
    %get3A_17 = vector.load %arg5[%get3A_15, %get3A_16] : memref<128x256xf32, #tpu.memory_space<vmem>>, vector<128x256xf32>
    %dot_general3A = arith.constant dense<0.000000e+00> : vector<1000x256xf32>
    %dot_general3A_18 = tpu.matmul %mul3A_14, %get3A_17, %dot_general3A {dimension_numbers = #tpu.dot_dimension_numbers<[1], [0], [0], [1], [0, 0, 1, 1], [], []>, transpose_lhs_hint = false} : vector<1000x128xf32>, vector<128x256xf32>, vector<1000x256xf32> -> vector<1000x256xf32>
    %get3A_19 = arith.constant 0 : index
    %get3A_20 = arith.constant 0 : index
    %get3A_21 = vector.load %arg6[%get3A_19, %get3A_20] : memref<1x256xf32, #tpu.memory_space<vmem>>, vector<1x256xf32>
    %add3A_22 = vector.broadcast %get3A_21 : vector<1x256xf32> to vector<1000x256xf32>
    %add3A_23 = arith.addf %dot_general3A_18, %add3A_22 : vector<1000x256xf32>
    %max3A = arith.constant 0.000000e+00 : f32
    %max3A_24 = vector.broadcast %max3A : f32 to vector<1000x256xf32>
    %max3A_25 = arith.maximumf %add3A_23, %max3A_24 : vector<1000x256xf32>
    %get3A_26 = arith.constant 0 : index
    %get3A_27 = arith.constant 0 : index
    %get3A_28 = vector.load %arg7[%get3A_26, %get3A_27] : memref<256x64xf32, #tpu.memory_space<vmem>>, vector<256x64xf32>
    %dot_general3A_29 = arith.constant dense<0.000000e+00> : vector<1000x64xf32>
    %dot_general3A_30 = tpu.matmul %max3A_25, %get3A_28, %dot_general3A_29 {dimension_numbers = #tpu.dot_dimension_numbers<[1], [0], [0], [1], [0, 0, 1, 1], [], []>, transpose_lhs_hint = false} : vector<1000x256xf32>, vector<256x64xf32>, vector<1000x64xf32> -> vector<1000x64xf32>
    %swap3A = arith.constant 0 : index
    %swap3A_31 = arith.constant 0 : index
    %swap3A_32 = vector.load %arg8[%swap3A, %swap3A_31] : memref<1000x64xf32, #tpu.memory_space<vmem>>, vector<1000x64xf32>
    tpu.vector_store %arg8[%swap3A, %swap3A_31], %dot_general3A_30 {strides = array<i32>} : memref<1000x64xf32, #tpu.memory_space<vmem>>, vector<1000x64xf32>,
    %mul3A_33 = vector.broadcast %get3A_1 : vector<1000x1xf32> to vector<1000x64xf32>
    %mul3A_34 = arith.mulf %dot_general3A_30, %mul3A_33 : vector<1000x64xf32>
    %swap3A_35 = arith.constant 0 : index
    %swap3A_36 = arith.constant 0 : index
    %swap3A_37 = vector.load %arg9[%swap3A_35, %swap3A_36] : memref<1000x64xf32, #tpu.memory_space<vmem>>, vector<1000x64xf32>
    tpu.vector_store %arg9[%swap3A_35, %swap3A_36], %mul3A_34 {strides = array<i32>} : memref<1000x64xf32, #tpu.memory_space<vmem>>, vector<1000x64xf32>,
    return
  }
  func.func @transform_0(%arg0: i32) -> (i32, i32) {
    %c0_i32 = arith.constant 0 : i32
    %c0_i32_0 = arith.constant 0 : i32
    return %arg0, %c0_i32 : i32, i32
  }
  func.func @transform_1(%arg0: i32) -> (i32, i32) {
    %c0_i32 = arith.constant 0 : i32
    %c0_i32_0 = arith.constant 0 : i32
    return %arg0, %c0_i32 : i32, i32
  }
  func.func @transform_2(%arg0: i32) -> (i32, i32) {
    %c0_i32 = arith.constant 0 : i32
    %c0_i32_0 = arith.constant 0 : i32
    return %arg0, %c0_i32 : i32, i32
  }
  func.func @transform_3(%arg0: i32) -> (i32, i32) {
    %c0_i32 = arith.constant 0 : i32
    %c0_i32_0 = arith.constant 0 : i32
    return %arg0, %c0_i32 : i32, i32
  }
  func.func @transform_4(%arg0: i32) -> (i32, i32) {
    %c0_i32 = arith.constant 0 : i32
    %c0_i32_0 = arith.constant 0 : i32
    %c0_i32_1 = arith.constant 0 : i32
    return %c0_i32, %c0_i32_0 : i32, i32
  }
  func.func @transform_5(%arg0: i32) -> (i32, i32) {
    %c0_i32 = arith.constant 0 : i32
    %c0_i32_0 = arith.constant 0 : i32
    %c0_i32_1 = arith.constant 0 : i32
    return %c0_i32, %c0_i32_0 : i32, i32
  }
  func.func @transform_6(%arg0: i32) -> (i32, i32) {
    %c0_i32 = arith.constant 0 : i32
    %c0_i32_0 = arith.constant 0 : i32
    %c0_i32_1 = arith.constant 0 : i32
    return %c0_i32, %c0_i32_0 : i32, i32
  }
  func.func @transform_7(%arg0: i32) -> (i32, i32) {
    %c0_i32 = arith.constant 0 : i32
    %c0_i32_0 = arith.constant 0 : i32
    return %arg0, %c0_i32 : i32, i32
  }
  func.func @transform_8(%arg0: i32) -> (i32, i32) {
    %c0_i32 = arith.constant 0 : i32
    %c0_i32_0 = arith.constant 0 : i32
    return %arg0, %c0_i32 : i32, i32
  }
}

module attributes {stable_mosaic.version = 14 : i64} {
  func.func @body(%arg0: i32, %arg1: memref<1000x64xf32, #tpu.memory_space<vmem>>, %arg2: memref<1000x64xf32, #tpu.memory_space<vmem>>, %arg3: memref<1000x1xf32, #tpu.memory_space<vmem>>, %arg4: memref<1000x64xf32, #tpu.memory_space<vmem>>, %arg5: memref<1x64xf32, #tpu.memory_space<vmem>>, %arg6: memref<1000x64xf32, #tpu.memory_space<vmem>>) attributes {dimension_semantics = [#tpu.dimension_semantics<arbitrary>], iteration_bounds = array<i64: 10>, scalar_prefetch = 0 : i64, scratch_operands = 0 : i64, tpu.core_type = #tpu.core_type<tc>, window_params = [{transform_indices = @transform_0, window_bounds = array<i64: 1000, 64>}, {transform_indices = @transform_1, window_bounds = array<i64: 1000, 64>}, {transform_indices = @transform_2, window_bounds = array<i64: 1000, 1>}, {transform_indices = @transform_3, window_bounds = array<i64: 1000, 64>}, {pipeline_mode = #tpu.pipeline_mode<synchronous>, transform_indices = @transform_4, window_bounds = array<i64: 1, 64>}, {transform_indices = @transform_5, window_bounds = array<i64: 1000, 64>}]} {
    %get3A = arith.constant 0 : index
    %get3A_0 = arith.constant 0 : index
    %get3A_1 = vector.load %arg3[%get3A, %get3A_0] : memref<1000x1xf32, #tpu.memory_space<vmem>>, vector<1000x1xf32>
    %get3A_2 = arith.constant 0 : index
    %get3A_3 = arith.constant 0 : index
    %get3A_4 = vector.load %arg1[%get3A_2, %get3A_3] : memref<1000x64xf32, #tpu.memory_space<vmem>>, vector<1000x64xf32>
    %get3A_5 = arith.constant 0 : index
    %get3A_6 = arith.constant 0 : index
    %get3A_7 = vector.load %arg2[%get3A_5, %get3A_6] : memref<1000x64xf32, #tpu.memory_space<vmem>>, vector<1000x64xf32>
    %add3A = arith.addf %get3A_4, %get3A_7 : vector<1000x64xf32>
    %get3A_8 = arith.constant 0 : index
    %get3A_9 = arith.constant 0 : index
    %get3A_10 = vector.load %arg4[%get3A_8, %get3A_9] : memref<1000x64xf32, #tpu.memory_space<vmem>>, vector<1000x64xf32>
    %mul3A = vector.broadcast %get3A_1 : vector<1000x1xf32> to vector<1000x64xf32>
    %mul3A_11 = arith.mulf %mul3A, %get3A_10 : vector<1000x64xf32>
    %add3A_12 = arith.addf %add3A, %mul3A_11 : vector<1000x64xf32>
    %mul3A_13 = vector.broadcast %get3A_1 : vector<1000x1xf32> to vector<1000x64xf32>
    %mul3A_14 = arith.mulf %mul3A_13, %add3A_12 : vector<1000x64xf32>
    %get3A_15 = arith.constant 0 : index
    %get3A_16 = arith.constant 0 : index
    %get3A_17 = vector.load %arg5[%get3A_15, %get3A_16] : memref<1x64xf32, #tpu.memory_space<vmem>>, vector<1x64xf32>
    %add3A_18 = vector.broadcast %get3A_17 : vector<1x64xf32> to vector<1000x64xf32>
    %add3A_19 = arith.addf %mul3A_14, %add3A_18 : vector<1000x64xf32>
    %reduce_max3A = arith.constant dense<0xFF800000> : vector<1000xf32>
    %reduce_max3A_20 = vector.multi_reduction <maximumf>, %add3A_19, %reduce_max3A [1] : vector<1000x64xf32> to vector<1000xf32>
    %broadcast_in_dim3A = vector.shape_cast %reduce_max3A_20 : vector<1000xf32> to vector<1000x1xf32>
    %sub3A = vector.broadcast %broadcast_in_dim3A : vector<1000x1xf32> to vector<1000x64xf32>
    %sub3A_21 = arith.subf %add3A_19, %sub3A : vector<1000x64xf32>
    %exp3A = math.exp %sub3A_21 : vector<1000x64xf32>
    %reduce_sum3A = arith.constant dense<0.000000e+00> : vector<1000xf32>
    %reduce_sum3A_22 = vector.multi_reduction <add>, %exp3A, %reduce_sum3A [1] : vector<1000x64xf32> to vector<1000xf32>
    %broadcast_in_dim3A_23 = vector.shape_cast %reduce_sum3A_22 : vector<1000xf32> to vector<1000x1xf32>
    %log3A = math.log %broadcast_in_dim3A_23 : vector<1000x1xf32>
    %sub3A_24 = vector.broadcast %broadcast_in_dim3A : vector<1000x1xf32> to vector<1000x64xf32>
    %sub3A_25 = arith.subf %add3A_19, %sub3A_24 : vector<1000x64xf32>
    %sub3A_26 = vector.broadcast %log3A : vector<1000x1xf32> to vector<1000x64xf32>
    %sub3A_27 = arith.subf %sub3A_25, %sub3A_26 : vector<1000x64xf32>
    %swap3A = arith.constant 0 : index
    %swap3A_28 = arith.constant 0 : index
    %swap3A_29 = vector.load %arg6[%swap3A, %swap3A_28] : memref<1000x64xf32, #tpu.memory_space<vmem>>, vector<1000x64xf32>
    tpu.vector_store %arg6[%swap3A, %swap3A_28], %sub3A_27 {strides = array<i32>} : memref<1000x64xf32, #tpu.memory_space<vmem>>, vector<1000x64xf32>,
    return
  }
  func.func @transform_0(%arg0: i32) -> (i32, i32) {
    %c0_i32 = arith.constant 0 : i32
    %c0_i32_0 = arith.constant 0 : i32
    return %arg0, %c0_i32 : i32, i32
  }
  func.func @transform_1(%arg0: i32) -> (i32, i32) {
    %c0_i32 = arith.constant 0 : i32
    %c0_i32_0 = arith.constant 0 : i32
    return %arg0, %c0_i32 : i32, i32
  }
  func.func @transform_2(%arg0: i32) -> (i32, i32) {
    %c0_i32 = arith.constant 0 : i32
    %c0_i32_0 = arith.constant 0 : i32
    return %arg0, %c0_i32 : i32, i32
  }
  func.func @transform_3(%arg0: i32) -> (i32, i32) {
    %c0_i32 = arith.constant 0 : i32
    %c0_i32_0 = arith.constant 0 : i32
    return %arg0, %c0_i32 : i32, i32
  }
  func.func @transform_4(%arg0: i32) -> (i32, i32) {
    %c0_i32 = arith.constant 0 : i32
    %c0_i32_0 = arith.constant 0 : i32
    %c0_i32_1 = arith.constant 0 : i32
    return %c0_i32, %c0_i32_0 : i32, i32
  }
  func.func @transform_5(%arg0: i32) -> (i32, i32) {
    %c0_i32 = arith.constant 0 : i32
    %c0_i32_0 = arith.constant 0 : i32
    return %arg0, %c0_i32 : i32, i32
  }
}

</mosaic_0001>

<sc_bundles>
// kernel: kernel.11.cloned.1.call-start
scs
__scs_entry_jumppad:
0x0: {  	(pc) =	sbr.rel $0x88, $3  }
0x1: {  	(tag) =	ssettag $0x0;
	lr =	simm.s32 $0x1  }
0x2: {  	[smem:$0x3F9B] =	sst lr;
	_ =	strace $0xD0000000  }
0x3: {  	_ = 	snop  }
0x4: {  	_ = 	snop  }
0x5: {  	_ = 	snop  }
0x6: {  	_ = 	snop  }
0x7: {  	_ = 	snop  }
__scs_overlays_trampoline_lowered:
0x8: {  	[smem:$0x3FAA] =	sst s0  }
0x9: {  	[smem:$0x3FAB] =	sst s1  }
0xa: {  	[smem:$0x3FAC] =	sst s2  }
0xb: {  	[smem:$0x3FAD] =	sst s3  }
0xc: {  	[smem:$0x3FAE] =	sst s4  }
0xd: {  	[smem:$0x3FAF] =	sst s5  }
0xe: {  	[smem:$0x3FB0] =	sst s6  }
0xf: {  	[smem:$0x3FB1] =	sst s7  }
0x10: {  	[smem:$0x3FB2] =	sst s8  }
0x11: {  	[smem:$0x3FB3] =	sst s9;
	s0 =	simm.s32 @!p0 $0x0  }
0x12: {  	s1 =	sld [smem:$0x3F99];
	s0 =	simm.s32 @p0 $0x1  }
0x13: {  	[smem:$0x3FB4] =	sst s0;
	s0 =	simm.s32 @!p1 $0x0  }
0x14: {  	s2 =	sld [smem:$0x3F98];
	s0 =	simm.s32 @p1 $0x1  }
0x15: {  	[smem:$0x3FB5] =	sst s0;
	s0 =	simm.s32 @!p2 $0x0  }
0x16: {  	s3 =	sld [smem:$0x3FDB];
	s0 =	simm.s32 @p2 $0x1  }
0x17: {  	s4 =	simm.s32 $0x1BF5;
	[smem:$0x3FB7] =	sst s0  }
0x18: {  	s0 =	sld [smem:$0x3F9A];
	_ =	swait.ge [sflag:s4], $0x0  }
0x19: {  	s7 =	sld [smem:$0x3F9B]  }
0x1a: {  	s8 =	sadd.s32 $0xFFFFE003, lr  }
0x1b: {  	s9 =	sadd.s32 $0xFFFFFEF7, lr;
	s5 =	simm.s32 $0xFFFFFFFF;
	p2 =	slt.u32 s8, $0xFFFFF086  }
0x1c: {  	p1 =	slt.u32 s9, $0xF7A;
	s5 =	simm.s32 @!p2 $0x0  }
0x1d: {  	s5 =	simm.s32 @p1 $0x1;
	p0 =	seq.s32 s7, s2  }
0x1e: {  	s7 =	smul.u32 @!p0 $0xF7A, s2;
	p2 =	seq.s32 @!p0 s5, $0x0  }
0x1f: {  	s9 =	smul.u32 $0xF7A, s1;
	s8 =	simm.s32 @!p0 $0x1BF5;
	p2 =	por !p2, p0  }
0x20: {  	[sflag:s8] =	ssyncset.s32 @!p0 $0xFFFFF086;
	s6 =	sadd.s32 @!p0 s3, s7;
	s7 =	simm.s32 @!p0 $0x108  }
0x21: {  	s3 =	sadd.s32 s3, s9;
	s6 =	sadd.s32 @!p0 $0x88, s6;
	s7 =	simm.s32 @p2 $0x1082  }
0x22: {  	[simem:s7], [sflag:s8] =	dma.local @!p0 [hbm:s6], $0xF7A  }
0x23: {  	s9 =	sor.u32 $0xD0000000, s2;
	s6 =	simm.s32 $0x108;
	_ =	swait.ge @!p0 [sflag:s8], $0x0  }
0x24: {  	s3 =	sadd.s32 $0x88, s3;
	s6 =	simm.s32 @!p1 $0x1082;
	[sflag:s4] =	ssyncset.s32 $0xFFFFF086  }
0x25: {  	[simem:s6], [sflag:s4] =	dma.local [hbm:s3], $0xF7A  }
0x26: {  	[smem:$0x3F9B] =	sst s1;
	(tag) =	ssettag s2;
	_ =	strace s9  }
0x27: {  	s1 =	sld [smem:$0x3FAB]  }
0x28: {  	s2 =	sld [smem:$0x3FAC]  }
0x29: {  	s4 =	sld [smem:$0x3FAE]  }
0x2a: {  	p0 =	seq.s32 s5, $0x0;
	s5 =	sld [smem:$0x3FAF]  }
0x2b: {  	s6 =	sld [smem:$0x3FB0]  }
0x2c: {  	s7 =	sld [smem:$0x3FB1]  }
0x2d: {  	s3 =	simm.s32 $0x108;
	s8 =	sld [smem:$0x3FB2]  }
0x2e: {  	s3 =	simm.s32 @!p0 $0x1082;
	s9 =	sld [smem:$0x3FB3]  }
0x2f: {  	lr =	sadd.s32 s0, s3;
	s0 =	sld [smem:$0x3FAA]  }
0x30: {  	s3 =	sld [smem:$0x3FAD]  }
0x31: {  	[smem:$0x3FB6] =	sst s10  }
0x32: {  	s10 =	sld [smem:$0x3FB4];
	_ =	sdelay $0x3  }
0x33: {  	p0 =	seq.s32 s10, $0x1;
	s10 =	sld [smem:$0x3FB6];
	_ =	sdelay $0x3  }
0x34: {  	[smem:$0x3FB6] =	sst s10  }
0x35: {  	s10 =	sld [smem:$0x3FB5];
	_ =	sdelay $0x3  }
0x36: {  	p1 =	seq.s32 s10, $0x1;
	s10 =	sld [smem:$0x3FB6];
	_ =	sdelay $0x3  }
0x37: {  	[smem:$0x3FB6] =	sst s10  }
0x38: {  	s10 =	sld [smem:$0x3FB7]  }
0x39: {  	_ = 	snop;
	(pc) =	sbr.ind lr, $3  }
0x3a: {  	_ = 	snop  }
0x3b: {  	_ = 	snop  }
0x3c: {  	p2 =	seq.s32 s10, $0x1;
	s10 =	sld [smem:$0x3FB6]  }
0x3d: {  	_ =	shalt  }
0x3e: {  	_ =	shalt  }
0x3f: {  	_ =	shalt  }
0x40: {  	_ =	shalt  }
0x41: {  	_ =	shalt  }
0x42: {  	_ =	shalt  }
0x43: {  	_ =	shalt  }
0x44: {  	_ =	shalt  }
0x45: {  	_ =	shalt  }
0x46: {  	_ =	shalt  }
0x47: {  	_ =	shalt  }
0x48: {  	_ =	shalt  }
0x49: {  	_ =	shalt  }
0x4a: {  	_ =	shalt  }
0x4b: {  	_ =	shalt  }
0x4c: {  	_ =	shalt  }
0x4d: {  	_ =	shalt  }
0x4e: {  	_ =	shalt  }
0x4f: {  	_ =	shalt  }
0x50: {  	_ =	shalt  }
0x51: {  	_ =	shalt  }
0x52: {  	_ =	shalt  }
0x53: {  	_ =	shalt  }
0x54: {  	_ =	shalt  }
0x55: {  	_ =	shalt  }
0x56: {  	_ =	shalt  }
0x57: {  	_ =	shalt  }
0x58: {  	_ =	shalt  }
0x59: {  	_ =	shalt  }
0x5a: {  	_ =	shalt  }
0x5b: {  	_ =	shalt  }
0x5c: {  	_ =	shalt  }
0x5d: {  	_ =	shalt  }
0x5e: {  	_ =	shalt  }
0x5f: {  	_ =	shalt  }
0x60: {  	_ =	shalt  }
0x61: {  	_ =	shalt  }
0x62: {  	_ =	shalt  }
0x63: {  	_ =	shalt  }
0x64: {  	_ =	shalt  }
0x65: {  	_ =	shalt  }
0x66: {  	_ =	shalt  }
0x67: {  	_ =	shalt  }
0x68: {  	_ =	shalt  }
0x69: {  	_ =	shalt  }
0x6a: {  	_ =	shalt  }
0x6b: {  	_ =	shalt  }
0x6c: {  	_ =	shalt  }
0x6d: {  	_ =	shalt  }
0x6e: {  	_ =	shalt  }
0x6f: {  	_ =	shalt  }
0x70: {  	_ =	shalt  }
0x71: {  	_ =	shalt  }
0x72: {  	_ =	shalt  }
0x73: {  	_ =	shalt  }
0x74: {  	_ =	shalt  }
0x75: {  	_ =	shalt  }
0x76: {  	_ =	shalt  }
0x77: {  	_ =	shalt  }
0x78: {  	_ =	shalt  }
0x79: {  	_ =	shalt  }
0x7a: {  	_ =	shalt  }
0x7b: {  	_ =	shalt  }
0x7c: {  	_ =	shalt  }
0x7d: {  	_ =	shalt  }
0x7e: {  	_ =	shalt  }
0x7f: {  	_ =	shalt  }
0x80: {  	_ =	shalt  }
0x81: {  	_ =	shalt  }
0x82: {  	_ =	shalt  }
0x83: {  	_ =	shalt  }
0x84: {  	_ =	shalt  }
0x85: {  	_ =	shalt  }
0x86: {  	_ =	shalt  }
0x87: {  	_ =	shalt  }
.Lfunc_end0:
.L_simem_size_0:
called_computation.1_lowered:
.L_overlay_start_0:
0x88: {  	s2 =	sld [smem:$0x3FD9]  }
0x89: {  	s3 =	sld [smem:$0x3FFE];
	_ =	sdelay $0x1  }
0x8a: {  	s1 =	srdreg.scid  }
0x8b: {  	s0 =	sand.u32 $0x1, s1  }
0x8c: {  	s17 =	sshll.u32 s0, $0xA;
	s2 =	sadd.s32 s3, s2  }
0x8d: {  	s2 =	sadd.s32 s2, s17  }
0x8e: {  	[smem:$0x3FC2] =	sst s2  }
0x8f: {  	_ = 	snop  }
0x90: {  	s2 =	sld [smem:$0x3FD0];
	(tm) =	ssettm $0x1  }
0x91: {  	s18 =	sld [smem:$0x3FFB];
	_ =	sdelay $0x3  }
0x92: {  	_ =	strace s18  }
0x93: {  	s3 =	sld [smem:$0x3FFC];
	_ =	sdelay $0x3  }
0x94: {  	_ =	strace s3  }
0x95: {  	s3 =	sld [smem:$0x3FFD];
	_ =	sdelay $0x3  }
0x96: {  	_ =	strace s3  }
0x97: {  	_ =	strace $0x8FFFFFFF  }
0x98: {  	s19 =	sld [smem:$0x3FDB];
	_ =	sdelay $0x1  }
0x99: {  	s4 =	simm.s32 $_scs_section_size  }
0x9a: {  	s5 =	simm.s32 $_size__tile_overlayer_lowered;
	s6 =	simm.s32 $_tile_overlayer_lowered  }
0x9b: {  	s22 =	simm.s32 $0x1BFF;
	s21 =	sshll.u32 s6, $0x1;
	s3 =	sadd.s32 s4, s19  }
0x9c: {  	s7 =	simm.s32 $0x0;
	s20 =	sshll.u32 s5, $0x1;
	s5 =	sadd.s32 s21, s3  }
0x9d: {  	[timem:s7], [sflag:s22] =	dma.local [hbm:s5], s20  }
0x9e: {  	_ =	swait.ge [sflag:s22], s20  }
0x9f: {  	s4 =	ssub.s32 $0x0, s20;
	[sflag:s22] =	ssyncset.done $0x0  }
0xa0: {  	[sflag:s22] =	ssyncadd.s32 s4;
	_ =	sdelay $0x1  }
0xa1: {  	s23 =	simm.s32 $0x1B8B  }
0xa2: {  	_ =	swait.ge [sflag:s23], $0x1  }
0xa3: {  	[sflag:s23] =	ssyncset.done $0x0  }
0xa4: {  	s25 =	simm.s32 $0x1B8E;
	s24 =	sld [smem:$0x3FFE];
	[sflag:s23] =	ssyncadd.s32 $0xFFFFFFFF  }
0xa5: {  	s26 =	simm.s32 $execute0_lowered;
	[smem:$0x3FD2] =	sst s25  }
0xa6: {  	s5 =	sshll.u32 s26, $0x1;
	_ =	strace $0x80000049;
	[dreg:$0x1] =	wrdreg $0xFFFFFFFF  }
0xa7: {  	s28 =	simm.s32 $_size_execute0_lowered;
	s3 =	sadd.s32 s3, s5;
	[dreg:$0x0] =	wrdreg $0x0  }
0xa8: {  	s5 =	sshll.u32 s28, $0x1;
	[dreg:$0x2] =	wrdreg s3  }
0xa9: {  	[dreg:$0x3] =	wrdreg s5  }
0xaa: {  	[dreg:$0x4] =	wrdreg $0xC0  }
0xab: {  	_ =	task [dreg:s7], $0x5FFFF  }
0xac: {  	[dreg:$0x1] =	wrdreg $0xFFFFFFFF  }
0xad: {  	[dreg:$0x0] =	wrdreg $0x60  }
0xae: {  	[dreg:$0x2] =	wrdreg s24  }
0xaf: {  	[dreg:$0x3] =	wrdreg s2  }
0xb0: {  	[dreg:$0x4] =	wrdreg $0xA8000  }
0xb1: {  	[dreg:$0x5] =	wrdreg $0x9  }
0xb2: {  	_ =	task.clear_ibuf [dreg:s7], $0x6FFFF;
	_ =	strace $0x90000049  }
0xb3: {  	s29 =	simm.s32 $0x9;
	_ =	strace $0x8000004B  }
0xb4: {  	_ =	swait.ge [sflag:s29], $0x1  }
0xb5: {  	[sflag:s29] =	ssyncadd.s32 $0xFFFFFFFF  }
0xb6: {  	_ =	strace $0x9000004B  }
0xb7: {  	_ =	sfence  }
0xb8: {  	s30 =	sld [smem:$0x0];
	_ =	sdelay $0x2  }
0xb9: {  	s31 =	sshll.u32 s1, $0xD;
	s1 =	sshrl.u32 s1, $0x2  }
0xba: {  	s3 =	sand.u32 $0x4000, s31;
	s1 =	sadd.s32 s1, s30  }
0xbb: {  	s0 =	sor.u32 s3, s0;
	s1 =	sshll.u32 s1, $0x11  }
0xbc: {  	s0 =	sor.u32 s1, s0  }
0xbd: {  	s0 =	sadd.s32 $0x8F2B, s0  }
0xbe: {  	[sflag:s0] =	ssyncadd.remote.s32 $0x1  }
0xbf: {  	_ =	sfence.sel $0xFFFF  }
0xc0: {  	[dreg:$0x0] =	wrdreg $0xFFFFFFFF;
	(pc) =	sbr.abs _section_cstart, $3  }
0xc1: {  	[dreg:$0x1] =	wrdreg $0xFFFFFFFF  }
0xc2: {  	_ =	task.clear_ibuf [dreg:s7], $0x2FFFF;
	_ =	strace $0x9FFFFFFF  }
0xc3: {  	(tm) =	ssettm $0x7FFFFFFF  }
tec
execute0_lowered:
.L_overlay_start_1:
0x0: {  	(tag) =	ssettag $0x1  }
0x1: {  	s6 =	rddreg [dreg:$0x0]  }
0x2: {  	s1 =	rddreg [dreg:$0x1]  }
0x3: {  	s2 =	rddreg [dreg:$0x2]  }
0x4: {  	s0 =	rddreg [dreg:$0x3];
	s4 =	simm.s32 $0x0;
	s7 =	srdreg.scid  }
0x5: {  	s3 =	stileid.u32;
	s17 =	simm.s32 $0x2800;
	s18 =	simm.s32 $0x6800  }
0x6: {  	s19 =	simm.s32 $0x1;
	s20 =	simm.s32 $0x2;
	s21 =	simm.s32 $0x1380  }
0x7: {  	s22 =	simm.s32 $0x2700;
	s23 =	simm.s32 $0x2780;
	s24 =	simm.s32 $0x0  }
0x8: {  	[smem:$0x7FF] =	sst s4;
	s5 =	sadd.s32 $0x16800, s6;
	s8 =	smul.u32 $0x2800, s3  }
0x9: {  	s7 =	sand.u32 $0x1, s7;
	s9 =	sadd.s32 $0xC800, s6;
	s12 =	smul.u32 $0x50000, s3  }
0xa: {  	s13 =	sadd.s32 $0x2400, s6;
	s29 =	sshll.u32 s3, $0x6;
	_ =	strace $0x8000004A  }
0xb: {  	s10 =	smul.u32 $0x28000, s7;
	s11 =	sshll.u32 s7, $0x4;
	s7 =	ssub.s32 $0x2, s7  }
0xc: {  	s11 =	sor.u32 s3, s11;
	s26 =	sshrl.u32 s7, $0x1;
	s28 =	sshrl.u32 s12, $0x2  }
0xd: {  	s8 =	sadd.s32 s8, s10;
	s11 =	smul.u32 $0x2800, s11;
	s15 =	ssub.s32 s7, s26  }
0xe: {  	s16 =	sadd.s32 s28, s2;
	s14 =	sadd.s32 s8, s6;
	s6 =	sor.u32 $0x1C03, s29  }
0xf: {  	s12 =	smax.u32 s15, $0x1;
	s15 =	simm.s32 $0x1400;
	s30 =	sshrl.u32 s11, $0x3  }
0x10: {  	s11 =	sadd.s32 $0x64C00, s14;
	s14 =	simm.s32 $0x3;
	s31 =	sadd.s32 $0x280, s30  }
0x11: {  	s7 =	sadd.s32 s9, s30;
	s8 =	sadd.s32 s13, s30;
	s9 =	sadd.s32 s9, s31  }
0x12: {  	s10 =	sadd.s32 s13, s31;
	s13 =	sshrl.u32 s16, $0x3;
	s16 =	simm.s32 $0x80  }
.LBB2_1:
0x13: {  	[spmem:s13], [sflag:s6] =	dma.local [hbm:s1], $0x2800  }
0x14: {  	_ =	swait.ge [sflag:s14], $0x2800  }
0x15: {  	[sflag:s14] =	ssyncset.done $0x0  }
0x16: {  	[sflag:s14] =	ssyncadd.s32 $0xFFFFD800  }
0x17: {  	[bflag:$0x0] =	sbarrier.arrive $0xFFFF  }
0x18: {  	[tilespmem:s4], [sflag:$0x3] =	stream.linear.gather [hbm4b:s7+s4], $0x1400, $0x38;
	[tilespmem:$0x1E800] =	vst v63  }
0x19: {  	_ =	swait.ge [sflag:s14], $0x1400  }
0x1a: {  	[sflag:s14] =	ssyncset.done $0x0  }
0x1b: {  	[sflag:s14] =	ssyncadd.s32 $0xFFFFEC00  }
0x1c: {  	[tilespmem:s15], [sflag:$0x3] =	stream.linear.gather [hbm4b:s8+s4], $0x1400, $0x38;
	[tilespmem:$0x1E800] =	vst v63  }
0x1d: {  	_ =	swait.ge [sflag:s14], $0x1400  }
0x1e: {  	[sflag:s14] =	ssyncset.done $0x0  }
0x1f: {  	[sflag:s14] =	ssyncadd.s32 $0xFFFFEC00  }
0x20: {  	[tilespmem:s17], [sflag:$0x1] =	stream.indirect.gather [hbm4b:s5+s16], $0x80, s4, s16, $0xb8;
	[tilespmem:$0x1E800] =	vst v63  }
0x21: {  	s25 =	simm.s32 $0x80  }
0x22: {  	[tilespmem:s18], [sflag:$0x2] =	stream.indirect.gather [hbm4b:s5+s16], $0x80, s25, s16, $0xb8;
	[tilespmem:$0x1E800] =	vst v63  }
0x23: {  	_ =	swait.ge [sflag:s19], $0x4000  }
0x24: {  	[sflag:s19] =	ssyncset.done $0x0  }
0x25: {  	s29 =	simm.s32 $0x1400;
	[sflag:s19] =	ssyncadd.s32 $0xFFFFC000  }
0x26: {  	[spmem:s2] =	stream.indirect.scatter.add.f32 [tilespmem:s17], [sflag:$0x3], $0x80, s29, s16, $0xb8;
	[tilespmem:$0x1E800] =	vst v63  }
0x27: {  	_ =	swait.ge [sflag:s14], $0x4000  }
0x28: {  	[sflag:s14] =	ssyncset.done $0x0  }
0x29: {  	s30 =	simm.s32 $0x100;
	[sflag:s14] =	ssyncadd.s32 $0xFFFFC000  }
0x2a: {  	[tilespmem:s17], [sflag:$0x1] =	stream.indirect.gather [hbm4b:s5+s16], $0x80, s30, s16, $0xb8;
	[tilespmem:$0x1E800] =	vst v63  }
0x2b: {  	_ =	swait.ge [sflag:s20], $0x4000  }
0x2c: {  	[sflag:s20] =	ssyncset.done $0x0  }
0x2d: {  	s31 =	simm.s32 $0x1480;
	[sflag:s20] =	ssyncadd.s32 $0xFFFFC000  }
0x2e: {  	[spmem:s2] =	stream.indirect.scatter.add.f32 [tilespmem:s18], [sflag:$0x3], $0x80, s31, s16, $0xb8;
	[tilespmem:$0x1E800] =	vst v63  }
0x2f: {  	_ =	swait.ge [sflag:s14], $0x4000  }
0x30: {  	s26 =	simm.s32 $0x800;
	s25 =	simm.s32 $0x100;
	[sflag:s14] =	ssyncset.done $0x0  }
.LBB2_2:
0x31: {  	s28 =	sadd.s32 $0x80, s25  }
0x32: {  	[sflag:s14] =	ssyncadd.s32 $0xFFFFC000;
	s29 =	smov.u32 s26;
	s30 =	sadd.s32 $0x400, s26  }
0x33: {  	[tilespmem:s18], [sflag:$0x2] =	stream.indirect.gather [hbm4b:s5+s16], $0x80, s28, s16, $0xb8;
	[tilespmem:$0x1E800] =	vst v63  }
0x34: {  	p0 =	sne.s32 s26, $0x4800;
	_ =	swait.ge [sflag:s19], $0x4000  }
0x35: {  	[sflag:s19] =	ssyncset.done $0x0  }
0x36: {  	s26 =	sadd.s32 $0x1400, s25;
	[sflag:s19] =	ssyncadd.s32 $0xFFFFC000  }
0x37: {  	[spmem:s2] =	stream.indirect.scatter.add.f32 [tilespmem:s17], [sflag:$0x3], $0x80, s26, s16, $0xb8;
	[tilespmem:$0x1E800] =	vst v63  }
0x38: {  	_ =	swait.ge [sflag:s14], $0x4000  }
0x39: {  	[sflag:s14] =	ssyncset.done $0x0  }
0x3a: {  	s26 =	sadd.s32 $0x100, s25;
	[sflag:s14] =	ssyncadd.s32 $0xFFFFC000  }
0x3b: {  	[tilespmem:s17], [sflag:$0x1] =	stream.indirect.gather [hbm4b:s5+s16], $0x80, s26, s16, $0xb8;
	[tilespmem:$0x1E800] =	vst v63  }
0x3c: {  	_ =	swait.ge [sflag:s20], $0x4000  }
.Ltmp0:
0x3d: {  	[sflag:s20] =	ssyncset.done $0x0;
	(pc) =	sbr.rel @p0 .LBB2_2-.Ltmp0, $4  }
0x3e: {  	s25 =	sadd.s32 $0x1480, s25;
	[sflag:s20] =	ssyncadd.s32 $0xFFFFC000  }
0x3f: {  	[spmem:s2] =	stream.indirect.scatter.add.f32 [tilespmem:s18], [sflag:$0x3], $0x80, s25, s16, $0xb8;
	[tilespmem:$0x1E800] =	vst v63  }
0x40: {  	_ =	swait.ge [sflag:s14], $0x4000  }
0x41: {  	s26 =	smov.u32 s30;
	s25 =	sshra.s32 s29, $0x2;
	[sflag:s14] =	ssyncset.done $0x0  }
0x42: {  	s26 =	sadd.s32 $0x80, s25;
	[sflag:s14] =	ssyncadd.s32 $0xFFFFC000  }
0x43: {  	[tilespmem:s18], [sflag:$0x2] =	stream.indirect.gather [hbm4b:s5+s16], $0x80, s26, s16, $0xb8;
	[tilespmem:$0x1E800] =	vst v63  }
0x44: {  	_ =	swait.ge [sflag:s19], $0x4000  }
0x45: {  	[sflag:s19] =	ssyncset.done $0x0  }
0x46: {  	s29 =	sadd.s32 $0x1400, s25;
	[sflag:s19] =	ssyncadd.s32 $0xFFFFC000  }
0x47: {  	[spmem:s2] =	stream.indirect.scatter.add.f32 [tilespmem:s17], [sflag:$0x3], $0x80, s29, s16, $0xb8;
	[tilespmem:$0x1E800] =	vst v63  }
0x48: {  	_ =	swait.ge [sflag:s14], $0x4000  }
0x49: {  	[sflag:s14] =	ssyncset.done $0x0  }
0x4a: {  	s30 =	sadd.s32 $0x100, s25;
	[sflag:s14] =	ssyncadd.s32 $0xFFFFC000  }
0x4b: {  	[tilespmem:s17], [sflag:$0x1] =	stream.indirect.gather [hbm4b:s5+s16], $0x80, s30, s16, $0xb8;
	[tilespmem:$0x1E800] =	vst v63  }
0x4c: {  	_ =	swait.ge [sflag:s20], $0x4000  }
0x4d: {  	[sflag:s20] =	ssyncset.done $0x0  }
0x4e: {  	s31 =	sadd.s32 $0x1480, s25;
	[sflag:s20] =	ssyncadd.s32 $0xFFFFC000  }
0x4f: {  	[spmem:s2] =	stream.indirect.scatter.add.f32 [tilespmem:s18], [sflag:$0x3], $0x80, s31, s16, $0xb8;
	[tilespmem:$0x1E800] =	vst v63  }
0x50: {  	_ =	swait.ge [sflag:s14], $0x4000  }
0x51: {  	[sflag:s14] =	ssyncset.done $0x0  }
0x52: {  	[sflag:s14] =	ssyncadd.s32 $0xFFFFC000  }
0x53: {  	[tilespmem:s18], [sflag:$0x2] =	stream.indirect.gather [hbm4b:s5+s16], $0x80, s21, s16, $0xb8;
	[tilespmem:$0x1E800] =	vst v63  }
0x54: {  	_ =	swait.ge [sflag:s19], $0x4000  }
0x55: {  	[sflag:s19] =	ssyncset.done $0x0  }
0x56: {  	[sflag:s19] =	ssyncadd.s32 $0xFFFFC000  }
0x57: {  	[spmem:s2] =	stream.indirect.scatter.add.f32 [tilespmem:s17], [sflag:$0x3], $0x80, s22, s16, $0xb8;
	[tilespmem:$0x1E800] =	vst v63  }
0x58: {  	_ =	swait.ge [sflag:s14], $0x4000  }
0x59: {  	[sflag:s14] =	ssyncset.done $0x0  }
0x5a: {  	[sflag:s14] =	ssyncadd.s32 $0xFFFFC000  }
0x5b: {  	_ =	swait.ge [sflag:s20], $0x4000  }
0x5c: {  	[sflag:s20] =	ssyncset.done $0x0  }
0x5d: {  	[sflag:s20] =	ssyncadd.s32 $0xFFFFC000  }
0x5e: {  	[spmem:s2] =	stream.indirect.scatter.add.f32 [tilespmem:s18], [sflag:$0x3], $0x80, s23, s16, $0xb8;
	[tilespmem:$0x1E800] =	vst v63  }
0x5f: {  	_ =	swait.ge [sflag:s14], $0x4000  }
0x60: {  	[sflag:s14] =	ssyncset.done $0x0  }
0x61: {  	s26 =	simm.s32 $0x0;
	[sflag:s14] =	ssyncadd.s32 $0xFFFFC000  }
0x62: {  	[tilespmem:s26], [sflag:$0x3] =	stream.linear.gather [hbm4b:s9+s26], $0x1400, $0x38;
	[tilespmem:$0x1E800] =	vst v63  }
0x63: {  	_ =	swait.ge [sflag:s14], $0x1400  }
0x64: {  	[sflag:s14] =	ssyncset.done $0x0  }
0x65: {  	[sflag:s14] =	ssyncadd.s32 $0xFFFFEC00  }
0x66: {  	[tilespmem:s15], [sflag:$0x3] =	stream.linear.gather [hbm4b:s10+s26], $0x1400, $0x38;
	[tilespmem:$0x1E800] =	vst v63  }
0x67: {  	_ =	swait.ge [sflag:s14], $0x1400  }
0x68: {  	[sflag:s14] =	ssyncset.done $0x0  }
0x69: {  	[sflag:s14] =	ssyncadd.s32 $0xFFFFEC00  }
0x6a: {  	[tilespmem:s17], [sflag:$0x1] =	stream.indirect.gather [hbm4b:s5+s16], $0x80, s26, s16, $0xb8;
	[tilespmem:$0x1E800] =	vst v63  }
0x6b: {  	s28 =	simm.s32 $0x80  }
0x6c: {  	[tilespmem:s18], [sflag:$0x2] =	stream.indirect.gather [hbm4b:s5+s16], $0x80, s28, s16, $0xb8;
	[tilespmem:$0x1E800] =	vst v63  }
0x6d: {  	_ =	swait.ge [sflag:s19], $0x4000  }
0x6e: {  	[sflag:s19] =	ssyncset.done $0x0  }
0x6f: {  	s29 =	simm.s32 $0x1400;
	[sflag:s19] =	ssyncadd.s32 $0xFFFFC000  }
0x70: {  	[spmem:s2] =	stream.indirect.scatter.add.f32 [tilespmem:s17], [sflag:$0x3], $0x80, s29, s16, $0xb8;
	[tilespmem:$0x1E800] =	vst v63  }
0x71: {  	_ =	swait.ge [sflag:s14], $0x4000  }
0x72: {  	[sflag:s14] =	ssyncset.done $0x0  }
0x73: {  	s30 =	simm.s32 $0x100;
	[sflag:s14] =	ssyncadd.s32 $0xFFFFC000  }
0x74: {  	[tilespmem:s17], [sflag:$0x1] =	stream.indirect.gather [hbm4b:s5+s16], $0x80, s30, s16, $0xb8;
	[tilespmem:$0x1E800] =	vst v63  }
0x75: {  	_ =	swait.ge [sflag:s20], $0x4000  }
0x76: {  	[sflag:s20] =	ssyncset.done $0x0  }
0x77: {  	s31 =	simm.s32 $0x1480;
	[sflag:s20] =	ssyncadd.s32 $0xFFFFC000  }
0x78: {  	[spmem:s2] =	stream.indirect.scatter.add.f32 [tilespmem:s18], [sflag:$0x3], $0x80, s31, s16, $0xb8;
	[tilespmem:$0x1E800] =	vst v63  }
0x79: {  	_ =	swait.ge [sflag:s14], $0x4000  }
0x7a: {  	s25 =	simm.s32 $0x100;
	s26 =	simm.s32 $0x800;
	[sflag:s14] =	ssyncset.done $0x0  }
.LBB2_4:
0x7b: {  	s28 =	sadd.s32 $0x80, s25  }
0x7c: {  	[sflag:s14] =	ssyncadd.s32 $0xFFFFC000;
	s29 =	smov.u32 s26;
	s30 =	sadd.s32 $0x400, s26  }
0x7d: {  	[tilespmem:s18], [sflag:$0x2] =	stream.indirect.gather [hbm4b:s5+s16], $0x80, s28, s16, $0xb8;
	[tilespmem:$0x1E800] =	vst v63  }
0x7e: {  	p0 =	sne.s32 s26, $0x4800;
	_ =	swait.ge [sflag:s19], $0x4000  }
0x7f: {  	[sflag:s19] =	ssyncset.done $0x0  }
0x80: {  	s26 =	sadd.s32 $0x1400, s25;
	[sflag:s19] =	ssyncadd.s32 $0xFFFFC000  }
0x81: {  	[spmem:s2] =	stream.indirect.scatter.add.f32 [tilespmem:s17], [sflag:$0x3], $0x80, s26, s16, $0xb8;
	[tilespmem:$0x1E800] =	vst v63  }
0x82: {  	_ =	swait.ge [sflag:s14], $0x4000  }
0x83: {  	[sflag:s14] =	ssyncset.done $0x0  }
0x84: {  	s26 =	sadd.s32 $0x100, s25;
	[sflag:s14] =	ssyncadd.s32 $0xFFFFC000  }
0x85: {  	[tilespmem:s17], [sflag:$0x1] =	stream.indirect.gather [hbm4b:s5+s16], $0x80, s26, s16, $0xb8;
	[tilespmem:$0x1E800] =	vst v63  }
0x86: {  	_ =	swait.ge [sflag:s20], $0x4000  }
.Ltmp1:
0x87: {  	[sflag:s20] =	ssyncset.done $0x0;
	(pc) =	sbr.rel @p0 .LBB2_4-.Ltmp1, $4  }
0x88: {  	s25 =	sadd.s32 $0x1480, s25;
	[sflag:s20] =	ssyncadd.s32 $0xFFFFC000  }
0x89: {  	[spmem:s2] =	stream.indirect.scatter.add.f32 [tilespmem:s18], [sflag:$0x3], $0x80, s25, s16, $0xb8;
	[tilespmem:$0x1E800] =	vst v63  }
0x8a: {  	_ =	swait.ge [sflag:s14], $0x4000  }
0x8b: {  	s26 =	smov.u32 s30;
	s25 =	sshra.s32 s29, $0x2;
	[sflag:s14] =	ssyncset.done $0x0  }
0x8c: {  	s26 =	sadd.s32 $0x80, s25;
	[sflag:s14] =	ssyncadd.s32 $0xFFFFC000  }
0x8d: {  	[tilespmem:s18], [sflag:$0x2] =	stream.indirect.gather [hbm4b:s5+s16], $0x80, s26, s16, $0xb8;
	[tilespmem:$0x1E800] =	vst v63  }
0x8e: {  	_ =	swait.ge [sflag:s19], $0x4000  }
0x8f: {  	[sflag:s19] =	ssyncset.done $0x0  }
0x90: {  	s29 =	sadd.s32 $0x1400, s25;
	[sflag:s19] =	ssyncadd.s32 $0xFFFFC000  }
0x91: {  	[spmem:s2] =	stream.indirect.scatter.add.f32 [tilespmem:s17], [sflag:$0x3], $0x80, s29, s16, $0xb8;
	[tilespmem:$0x1E800] =	vst v63  }
0x92: {  	_ =	swait.ge [sflag:s14], $0x4000  }
0x93: {  	[sflag:s14] =	ssyncset.done $0x0  }
0x94: {  	s30 =	sadd.s32 $0x100, s25;
	[sflag:s14] =	ssyncadd.s32 $0xFFFFC000  }
0x95: {  	[tilespmem:s17], [sflag:$0x1] =	stream.indirect.gather [hbm4b:s5+s16], $0x80, s30, s16, $0xb8;
	[tilespmem:$0x1E800] =	vst v63  }
0x96: {  	_ =	swait.ge [sflag:s20], $0x4000  }
0x97: {  	[sflag:s20] =	ssyncset.done $0x0  }
0x98: {  	s31 =	sadd.s32 $0x1480, s25;
	[sflag:s20] =	ssyncadd.s32 $0xFFFFC000  }
0x99: {  	[spmem:s2] =	stream.indirect.scatter.add.f32 [tilespmem:s18], [sflag:$0x3], $0x80, s31, s16, $0xb8;
	[tilespmem:$0x1E800] =	vst v63  }
0x9a: {  	_ =	swait.ge [sflag:s14], $0x4000  }
0x9b: {  	[sflag:s14] =	ssyncset.done $0x0  }
0x9c: {  	[sflag:s14] =	ssyncadd.s32 $0xFFFFC000  }
0x9d: {  	[tilespmem:s18], [sflag:$0x2] =	stream.indirect.gather [hbm4b:s5+s16], $0x80, s21, s16, $0xb8;
	[tilespmem:$0x1E800] =	vst v63  }
0x9e: {  	_ =	swait.ge [sflag:s19], $0x4000  }
0x9f: {  	[sflag:s19] =	ssyncset.done $0x0  }
0xa0: {  	[sflag:s19] =	ssyncadd.s32 $0xFFFFC000  }
0xa1: {  	[spmem:s2] =	stream.indirect.scatter.add.f32 [tilespmem:s17], [sflag:$0x3], $0x80, s22, s16, $0xb8;
	[tilespmem:$0x1E800] =	vst v63  }
0xa2: {  	_ =	swait.ge [sflag:s14], $0x4000  }
0xa3: {  	[sflag:s14] =	ssyncset.done $0x0  }
0xa4: {  	[sflag:s14] =	ssyncadd.s32 $0xFFFFC000  }
0xa5: {  	_ =	swait.ge [sflag:s20], $0x4000  }
0xa6: {  	[sflag:s20] =	ssyncset.done $0x0  }
0xa7: {  	[sflag:s20] =	ssyncadd.s32 $0xFFFFC000  }
0xa8: {  	[spmem:s2] =	stream.indirect.scatter.add.f32 [tilespmem:s18], [sflag:$0x3], $0x80, s23, s16, $0xb8;
	[tilespmem:$0x1E800] =	vst v63  }
0xa9: {  	_ =	swait.ge [sflag:s14], $0x4000  }
0xaa: {  	s24 =	sadd.s32 $0x1, s24;
	[sflag:s14] =	ssyncset.done $0x0  }
0xab: {  	p0 =	sne.s32 s24, s12;
	[sflag:s14] =	ssyncadd.s32 $0xFFFFC000  }
.Ltmp2:
0xac: {  	[bflag:$0x0] =	sbarrier.arrive $0xFFFF;
	(pc) =	sbr.rel @p0 .LBB2_1-.Ltmp2, $4  }
0xad: {  	[hbm:s11], [sflag:s6] =	dma.local [spmem:s13], $0x2800  }
0xae: {  	_ =	swait.ge [sflag:s14], $0x2800  }
0xaf: {  	[sflag:s14] =	ssyncset.done $0x0  }
0xb0: {  	[sflag:s14] =	ssyncadd.s32 $0xFFFFD800  }
0xb1: {  	_ =	sfence.sel $0x180000  }
0xb2: {  	[bflag:$0x0] =	sbarrier.arrive $0xFFFF  }
0xb3: {  	p0 =	sne.s32 s3, $0x0;
	_ =	strace $0x9000004A  }
0xb4: {  	s0 =	sadd.s32 @!p0 $0x100000, s0;
	[bflag:$0x2] =	sbarrier.arrive $0xFFFF  }
0xb5: {  	[sflag:s0] =	ssyncadd.tile.s32 @!p0 $0x1;
	_ =	shalt  }
.Lfunc_end2:
_tile_overlayer_lowered:
.L_overlay_start_2:
0xb6: {  	(tag) =	ssettag $0x2  }
0xb7: {  	s0 =	rddreg [dreg:$0x0];
	s2 =	stileid.u32  }
0xb8: {  	s1 =	rddreg [dreg:$0x1];
	p0 =	sne.s32 s2, $0x0  }
0xb9: {  	s3 =	rddreg [dreg:$0x2];
	[bflag:$0x3] =	sbarrier.arrive $0xFFFF;
	s2 =	simm.s32 @!p0 $0x1C03  }
0xba: {  	[timem:s3], [sflag:s2] =	dma.local @!p0 [hbm:s0], s1  }
0xbb: {  	s0 =	simm.s32 @!p0 $0x3  }
0xbc: {  	_ =	swait.ge @!p0 [sflag:s0], s1  }
0xbd: {  	s1 =	ssub.s32 @!p0 $0x0, s1;
	[sflag:s0] =	ssyncset.done @!p0 $0x0  }
0xbe: {  	[sflag:s0] =	ssyncadd.s32 @!p0 s1  }
0xbf: {  	[bflag:$0x3] =	sbarrier.arrive $0xFFFF  }
0xc0: {  	_ =	shalt  }

// kernel: kernel.14.cloned.1.call-start
scs
__scs_entry_jumppad:
0x0: {  	(pc) =	sbr.rel $0x88, $3  }
0x1: {  	(tag) =	ssettag $0x0;
	lr =	simm.s32 $0x1  }
0x2: {  	[smem:$0x3F9B] =	sst lr;
	_ =	strace $0xD0000000  }
0x3: {  	_ = 	snop  }
0x4: {  	_ = 	snop  }
0x5: {  	_ = 	snop  }
0x6: {  	_ = 	snop  }
0x7: {  	_ = 	snop  }
__scs_overlays_trampoline_lowered:
0x8: {  	[smem:$0x3FAA] =	sst s0  }
0x9: {  	[smem:$0x3FAB] =	sst s1  }
0xa: {  	[smem:$0x3FAC] =	sst s2  }
0xb: {  	[smem:$0x3FAD] =	sst s3  }
0xc: {  	[smem:$0x3FAE] =	sst s4  }
0xd: {  	[smem:$0x3FAF] =	sst s5  }
0xe: {  	[smem:$0x3FB0] =	sst s6  }
0xf: {  	[smem:$0x3FB1] =	sst s7  }
0x10: {  	[smem:$0x3FB2] =	sst s8  }
0x11: {  	[smem:$0x3FB3] =	sst s9;
	s0 =	simm.s32 @!p0 $0x0  }
0x12: {  	s1 =	sld [smem:$0x3F99];
	s0 =	simm.s32 @p0 $0x1  }
0x13: {  	[smem:$0x3FB4] =	sst s0;
	s0 =	simm.s32 @!p1 $0x0  }
0x14: {  	s2 =	sld [smem:$0x3F98];
	s0 =	simm.s32 @p1 $0x1  }
0x15: {  	[smem:$0x3FB5] =	sst s0;
	s0 =	simm.s32 @!p2 $0x0  }
0x16: {  	s3 =	sld [smem:$0x3FDB];
	s0 =	simm.s32 @p2 $0x1  }
0x17: {  	s4 =	simm.s32 $0x1BF5;
	[smem:$0x3FB7] =	sst s0  }
0x18: {  	s0 =	sld [smem:$0x3F9A];
	_ =	swait.ge [sflag:s4], $0x0  }
0x19: {  	s7 =	sld [smem:$0x3F9B]  }
0x1a: {  	s8 =	sadd.s32 $0xFFFFE003, lr  }
0x1b: {  	s9 =	sadd.s32 $0xFFFFFEF7, lr;
	s5 =	simm.s32 $0xFFFFFFFF;
	p2 =	slt.u32 s8, $0xFFFFF086  }
0x1c: {  	p1 =	slt.u32 s9, $0xF7A;
	s5 =	simm.s32 @!p2 $0x0  }
0x1d: {  	s5 =	simm.s32 @p1 $0x1;
	p0 =	seq.s32 s7, s2  }
0x1e: {  	s7 =	smul.u32 @!p0 $0xF7A, s2;
	p2 =	seq.s32 @!p0 s5, $0x0  }
0x1f: {  	s9 =	smul.u32 $0xF7A, s1;
	s8 =	simm.s32 @!p0 $0x1BF5;
	p2 =	por !p2, p0  }
0x20: {  	[sflag:s8] =	ssyncset.s32 @!p0 $0xFFFFF086;
	s6 =	sadd.s32 @!p0 s3, s7;
	s7 =	simm.s32 @!p0 $0x108  }
0x21: {  	s3 =	sadd.s32 s3, s9;
	s6 =	sadd.s32 @!p0 $0x88, s6;
	s7 =	simm.s32 @p2 $0x1082  }
0x22: {  	[simem:s7], [sflag:s8] =	dma.local @!p0 [hbm:s6], $0xF7A  }
0x23: {  	s9 =	sor.u32 $0xD0000000, s2;
	s6 =	simm.s32 $0x108;
	_ =	swait.ge @!p0 [sflag:s8], $0x0  }
0x24: {  	s3 =	sadd.s32 $0x88, s3;
	s6 =	simm.s32 @!p1 $0x1082;
	[sflag:s4] =	ssyncset.s32 $0xFFFFF086  }
0x25: {  	[simem:s6], [sflag:s4] =	dma.local [hbm:s3], $0xF7A  }
0x26: {  	[smem:$0x3F9B] =	sst s1;
	(tag) =	ssettag s2;
	_ =	strace s9  }
0x27: {  	s1 =	sld [smem:$0x3FAB]  }
0x28: {  	s2 =	sld [smem:$0x3FAC]  }
0x29: {  	s4 =	sld [smem:$0x3FAE]  }
0x2a: {  	p0 =	seq.s32 s5, $0x0;
	s5 =	sld [smem:$0x3FAF]  }
0x2b: {  	s6 =	sld [smem:$0x3FB0]  }
0x2c: {  	s7 =	sld [smem:$0x3FB1]  }
0x2d: {  	s3 =	simm.s32 $0x108;
	s8 =	sld [smem:$0x3FB2]  }
0x2e: {  	s3 =	simm.s32 @!p0 $0x1082;
	s9 =	sld [smem:$0x3FB3]  }
0x2f: {  	lr =	sadd.s32 s0, s3;
	s0 =	sld [smem:$0x3FAA]  }
0x30: {  	s3 =	sld [smem:$0x3FAD]  }
0x31: {  	[smem:$0x3FB6] =	sst s10  }
0x32: {  	s10 =	sld [smem:$0x3FB4];
	_ =	sdelay $0x3  }
0x33: {  	p0 =	seq.s32 s10, $0x1;
	s10 =	sld [smem:$0x3FB6];
	_ =	sdelay $0x3  }
0x34: {  	[smem:$0x3FB6] =	sst s10  }
0x35: {  	s10 =	sld [smem:$0x3FB5];
	_ =	sdelay $0x3  }
0x36: {  	p1 =	seq.s32 s10, $0x1;
	s10 =	sld [smem:$0x3FB6];
	_ =	sdelay $0x3  }
0x37: {  	[smem:$0x3FB6] =	sst s10  }
0x38: {  	s10 =	sld [smem:$0x3FB7]  }
0x39: {  	_ = 	snop;
	(pc) =	sbr.ind lr, $3  }
0x3a: {  	_ = 	snop  }
0x3b: {  	_ = 	snop  }
0x3c: {  	p2 =	seq.s32 s10, $0x1;
	s10 =	sld [smem:$0x3FB6]  }
0x3d: {  	_ =	shalt  }
0x3e: {  	_ =	shalt  }
0x3f: {  	_ =	shalt  }
0x40: {  	_ =	shalt  }
0x41: {  	_ =	shalt  }
0x42: {  	_ =	shalt  }
0x43: {  	_ =	shalt  }
0x44: {  	_ =	shalt  }
0x45: {  	_ =	shalt  }
0x46: {  	_ =	shalt  }
0x47: {  	_ =	shalt  }
0x48: {  	_ =	shalt  }
0x49: {  	_ =	shalt  }
0x4a: {  	_ =	shalt  }
0x4b: {  	_ =	shalt  }
0x4c: {  	_ =	shalt  }
0x4d: {  	_ =	shalt  }
0x4e: {  	_ =	shalt  }
0x4f: {  	_ =	shalt  }
0x50: {  	_ =	shalt  }
0x51: {  	_ =	shalt  }
0x52: {  	_ =	shalt  }
0x53: {  	_ =	shalt  }
0x54: {  	_ =	shalt  }
0x55: {  	_ =	shalt  }
0x56: {  	_ =	shalt  }
0x57: {  	_ =	shalt  }
0x58: {  	_ =	shalt  }
0x59: {  	_ =	shalt  }
0x5a: {  	_ =	shalt  }
0x5b: {  	_ =	shalt  }
0x5c: {  	_ =	shalt  }
0x5d: {  	_ =	shalt  }
0x5e: {  	_ =	shalt  }
0x5f: {  	_ =	shalt  }
0x60: {  	_ =	shalt  }
0x61: {  	_ =	shalt  }
0x62: {  	_ =	shalt  }
0x63: {  	_ =	shalt  }
0x64: {  	_ =	shalt  }
0x65: {  	_ =	shalt  }
0x66: {  	_ =	shalt  }
0x67: {  	_ =	shalt  }
0x68: {  	_ =	shalt  }
0x69: {  	_ =	shalt  }
0x6a: {  	_ =	shalt  }
0x6b: {  	_ =	shalt  }
0x6c: {  	_ =	shalt  }
0x6d: {  	_ =	shalt  }
0x6e: {  	_ =	shalt  }
0x6f: {  	_ =	shalt  }
0x70: {  	_ =	shalt  }
0x71: {  	_ =	shalt  }
0x72: {  	_ =	shalt  }
0x73: {  	_ =	shalt  }
0x74: {  	_ =	shalt  }
0x75: {  	_ =	shalt  }
0x76: {  	_ =	shalt  }
0x77: {  	_ =	shalt  }
0x78: {  	_ =	shalt  }
0x79: {  	_ =	shalt  }
0x7a: {  	_ =	shalt  }
0x7b: {  	_ =	shalt  }
0x7c: {  	_ =	shalt  }
0x7d: {  	_ =	shalt  }
0x7e: {  	_ =	shalt  }
0x7f: {  	_ =	shalt  }
0x80: {  	_ =	shalt  }
0x81: {  	_ =	shalt  }
0x82: {  	_ =	shalt  }
0x83: {  	_ =	shalt  }
0x84: {  	_ =	shalt  }
0x85: {  	_ =	shalt  }
0x86: {  	_ =	shalt  }
0x87: {  	_ =	shalt  }
.Lfunc_end0:
.L_simem_size_0:
called_computation.2_lowered:
.L_overlay_start_0:
0x88: {  	s2 =	sld [smem:$0x3FD9]  }
0x89: {  	s3 =	sld [smem:$0x3FFE];
	_ =	sdelay $0x1  }
0x8a: {  	s1 =	srdreg.scid  }
0x8b: {  	s0 =	sand.u32 $0x1, s1  }
0x8c: {  	s17 =	sshll.u32 s0, $0xA;
	s2 =	sadd.s32 s3, s2  }
0x8d: {  	s2 =	sadd.s32 s2, s17  }
0x8e: {  	[smem:$0x3FC2] =	sst s2  }
0x8f: {  	_ = 	snop  }
0x90: {  	s2 =	sld [smem:$0x3FD0];
	(tm) =	ssettm $0x1  }
0x91: {  	s18 =	sld [smem:$0x3FFB];
	_ =	sdelay $0x3  }
0x92: {  	_ =	strace s18  }
0x93: {  	s3 =	sld [smem:$0x3FFC];
	_ =	sdelay $0x3  }
0x94: {  	_ =	strace s3  }
0x95: {  	s3 =	sld [smem:$0x3FFD];
	_ =	sdelay $0x3  }
0x96: {  	_ =	strace s3  }
0x97: {  	_ =	strace $0x8FFFFFFF  }
0x98: {  	s19 =	sld [smem:$0x3FDB];
	_ =	sdelay $0x1  }
0x99: {  	s4 =	simm.s32 $_scs_section_size  }
0x9a: {  	s5 =	simm.s32 $_size__tile_overlayer_lowered;
	s6 =	simm.s32 $_tile_overlayer_lowered  }
0x9b: {  	s22 =	simm.s32 $0x1BFF;
	s21 =	sshll.u32 s6, $0x1;
	s3 =	sadd.s32 s4, s19  }
0x9c: {  	s7 =	simm.s32 $0x0;
	s20 =	sshll.u32 s5, $0x1;
	s5 =	sadd.s32 s21, s3  }
0x9d: {  	[timem:s7], [sflag:s22] =	dma.local [hbm:s5], s20  }
0x9e: {  	_ =	swait.ge [sflag:s22], s20  }
0x9f: {  	s4 =	ssub.s32 $0x0, s20;
	[sflag:s22] =	ssyncset.done $0x0  }
0xa0: {  	[sflag:s22] =	ssyncadd.s32 s4;
	_ =	sdelay $0x1  }
0xa1: {  	s23 =	simm.s32 $0x1B8B  }
0xa2: {  	_ =	swait.ge [sflag:s23], $0x1  }
0xa3: {  	[sflag:s23] =	ssyncset.done $0x0  }
0xa4: {  	s25 =	simm.s32 $0x1B8E;
	s24 =	sld [smem:$0x3FFE];
	[sflag:s23] =	ssyncadd.s32 $0xFFFFFFFF  }
0xa5: {  	s26 =	simm.s32 $execute0_lowered;
	[smem:$0x3FD2] =	sst s25  }
0xa6: {  	s5 =	sshll.u32 s26, $0x1;
	_ =	strace $0x8000004C;
	[dreg:$0x1] =	wrdreg $0xFFFFFFFF  }
0xa7: {  	s28 =	simm.s32 $_size_execute0_lowered;
	s3 =	sadd.s32 s3, s5;
	[dreg:$0x0] =	wrdreg $0x0  }
0xa8: {  	s5 =	sshll.u32 s28, $0x1;
	[dreg:$0x2] =	wrdreg s3  }
0xa9: {  	[dreg:$0x3] =	wrdreg s5  }
0xaa: {  	[dreg:$0x4] =	wrdreg $0xC0  }
0xab: {  	_ =	task [dreg:s7], $0x5FFFF  }
0xac: {  	[dreg:$0x1] =	wrdreg $0xFFFFFFFF  }
0xad: {  	[dreg:$0x0] =	wrdreg $0x60  }
0xae: {  	[dreg:$0x2] =	wrdreg s2  }
0xaf: {  	[dreg:$0x3] =	wrdreg s24  }
0xb0: {  	[dreg:$0x4] =	wrdreg $0x68000  }
0xb1: {  	[dreg:$0x5] =	wrdreg $0x9  }
0xb2: {  	_ =	task.clear_ibuf [dreg:s7], $0x6FFFF;
	_ =	strace $0x9000004C  }
0xb3: {  	s29 =	simm.s32 $0x9;
	_ =	strace $0x8000004E  }
0xb4: {  	_ =	swait.ge [sflag:s29], $0x1  }
0xb5: {  	[sflag:s29] =	ssyncadd.s32 $0xFFFFFFFF  }
0xb6: {  	_ =	strace $0x9000004E  }
0xb7: {  	_ =	sfence  }
0xb8: {  	s30 =	sld [smem:$0x0];
	_ =	sdelay $0x2  }
0xb9: {  	s31 =	sshll.u32 s1, $0xD;
	s1 =	sshrl.u32 s1, $0x2  }
0xba: {  	s3 =	sand.u32 $0x4000, s31;
	s1 =	sadd.s32 s1, s30  }
0xbb: {  	s0 =	sor.u32 s3, s0;
	s1 =	sshll.u32 s1, $0x11  }
0xbc: {  	s0 =	sor.u32 s1, s0  }
0xbd: {  	s0 =	sadd.s32 $0x8F2B, s0  }
0xbe: {  	[sflag:s0] =	ssyncadd.remote.s32 $0x1  }
0xbf: {  	_ =	sfence.sel $0xFFFF  }
0xc0: {  	[dreg:$0x0] =	wrdreg $0xFFFFFFFF;
	(pc) =	sbr.abs _section_cstart, $3  }
0xc1: {  	[dreg:$0x1] =	wrdreg $0xFFFFFFFF  }
0xc2: {  	_ =	task.clear_ibuf [dreg:s7], $0x2FFFF;
	_ =	strace $0x9FFFFFFF  }
0xc3: {  	(tm) =	ssettm $0x7FFFFFFF  }
tec
execute0_lowered:
.L_overlay_start_1:
0x0: {  	(tag) =	ssettag $0x1  }
0x1: {  	s1 =	rddreg [dreg:$0x0]  }
0x2: {  	s6 =	rddreg [dreg:$0x1]  }
0x3: {  	s2 =	rddreg [dreg:$0x2]  }
0x4: {  	s0 =	rddreg [dreg:$0x3];
	s4 =	simm.s32 $0x0;
	s5 =	srdreg.scid  }
0x5: {  	s3 =	stileid.u32;
	s15 =	simm.s32 $0x1400;
	s16 =	simm.s32 $0x80  }
0x6: {  	s17 =	simm.s32 $0x2800;
	s18 =	simm.s32 $0x4800;
	s19 =	simm.s32 $0x1  }
0x7: {  	s20 =	simm.s32 $0x2;
	s21 =	simm.s32 $0x1380;
	s22 =	simm.s32 $0x2700  }
0x8: {  	[smem:$0x7FF] =	sst s4;
	s9 =	sadd.s32 $0xC800, s6;
	s7 =	smul.u32 $0x1400, s3  }
0x9: {  	s5 =	sand.u32 $0x1, s5;
	s10 =	sadd.s32 $0x2400, s6;
	s24 =	smul.u32 $0x28000, s3  }
0xa: {  	s28 =	sshll.u32 s3, $0x6;
	_ =	strace $0x8000004D;
	s8 =	smul.u32 $0x14000, s5  }
0xb: {  	s11 =	sshll.u32 s5, $0x4;
	s12 =	ssub.s32 $0x2, s5;
	s5 =	sadd.s32 $0x64C00, s6  }
0xc: {  	s23 =	sor.u32 s3, s11;
	s25 =	sshrl.u32 s12, $0x1;
	s26 =	sshrl.u32 s24, $0x2  }
0xd: {  	s24 =	simm.s32 $0x0;
	s7 =	sadd.s32 s7, s8;
	s13 =	smul.u32 $0x2800, s23  }
0xe: {  	s12 =	ssub.s32 s12, s25;
	s30 =	sadd.s32 s26, s2;
	s23 =	simm.s32 $0x2780  }
0xf: {  	s14 =	sadd.s32 s7, s6;
	s6 =	sor.u32 $0x1C03, s28;
	s12 =	smax.u32 s12, $0x1  }
0x10: {  	s29 =	sshrl.u32 s13, $0x3;
	s11 =	sadd.s32 $0x66000, s14;
	s13 =	sshrl.u32 s30, $0x3  }
0x11: {  	s14 =	simm.s32 $0x3;
	s31 =	sadd.s32 $0x280, s29;
	s7 =	sadd.s32 s9, s29  }
0x12: {  	s8 =	sadd.s32 s10, s29;
	s9 =	sadd.s32 s9, s31;
	s10 =	sadd.s32 s10, s31  }
.LBB2_1:
0x13: {  	[spmem:s13], [sflag:s6] =	dma.local [hbm:s5], $0x1400  }
0x14: {  	_ =	swait.ge [sflag:s14], $0x1400  }
0x15: {  	[sflag:s14] =	ssyncset.done $0x0  }
0x16: {  	[sflag:s14] =	ssyncadd.s32 $0xFFFFEC00  }
0x17: {  	[bflag:$0x0] =	sbarrier.arrive $0xFFFF  }
0x18: {  	[tilespmem:s4], [sflag:$0x3] =	stream.linear.gather [hbm4b:s7+s4], $0x1400, $0x38;
	[tilespmem:$0x10800] =	vst v63  }
0x19: {  	_ =	swait.ge [sflag:s14], $0x1400  }
0x1a: {  	[sflag:s14] =	ssyncset.done $0x0  }
0x1b: {  	[sflag:s14] =	ssyncadd.s32 $0xFFFFEC00  }
0x1c: {  	[tilespmem:s15], [sflag:$0x3] =	stream.linear.gather [hbm4b:s8+s4], $0x1400, $0x38;
	[tilespmem:$0x10800] =	vst v63  }
0x1d: {  	_ =	swait.ge [sflag:s14], $0x1400  }
0x1e: {  	[sflag:s14] =	ssyncset.done $0x0  }
0x1f: {  	[sflag:s14] =	ssyncadd.s32 $0xFFFFEC00  }
0x20: {  	[tilespmem:s17], [sflag:$0x1] =	stream.indirect.gather [hbm4b:s1+s16], $0x40, s4, s16, $0xb8;
	[tilespmem:$0x10800] =	vst v63  }
0x21: {  	s25 =	simm.s32 $0x80  }
0x22: {  	[tilespmem:s18], [sflag:$0x2] =	stream.indirect.gather [hbm4b:s1+s16], $0x40, s25, s16, $0xb8;
	[tilespmem:$0x10800] =	vst v63  }
0x23: {  	_ =	swait.ge [sflag:s19], $0x2000  }
0x24: {  	[sflag:s19] =	ssyncset.done $0x0  }
0x25: {  	s29 =	simm.s32 $0x1400;
	[sflag:s19] =	ssyncadd.s32 $0xFFFFE000  }
0x26: {  	[spmem:s2] =	stream.indirect.scatter.add.f32 [tilespmem:s17], [sflag:$0x3], $0x40, s29, s16, $0xb8;
	[tilespmem:$0x10800] =	vst v63  }
0x27: {  	_ =	swait.ge [sflag:s14], $0x2000  }
0x28: {  	[sflag:s14] =	ssyncset.done $0x0  }
0x29: {  	s30 =	simm.s32 $0x100;
	[sflag:s14] =	ssyncadd.s32 $0xFFFFE000  }
0x2a: {  	[tilespmem:s17], [sflag:$0x1] =	stream.indirect.gather [hbm4b:s1+s16], $0x40, s30, s16, $0xb8;
	[tilespmem:$0x10800] =	vst v63  }
0x2b: {  	_ =	swait.ge [sflag:s20], $0x2000  }
0x2c: {  	[sflag:s20] =	ssyncset.done $0x0  }
0x2d: {  	s31 =	simm.s32 $0x1480;
	[sflag:s20] =	ssyncadd.s32 $0xFFFFE000  }
0x2e: {  	[spmem:s2] =	stream.indirect.scatter.add.f32 [tilespmem:s18], [sflag:$0x3], $0x40, s31, s16, $0xb8;
	[tilespmem:$0x10800] =	vst v63  }
0x2f: {  	_ =	swait.ge [sflag:s14], $0x2000  }
0x30: {  	s26 =	simm.s32 $0x800;
	s25 =	simm.s32 $0x100;
	[sflag:s14] =	ssyncset.done $0x0  }
.LBB2_2:
0x31: {  	s28 =	sadd.s32 $0x80, s25  }
0x32: {  	[sflag:s14] =	ssyncadd.s32 $0xFFFFE000;
	s29 =	smov.u32 s26;
	s30 =	sadd.s32 $0x400, s26  }
0x33: {  	[tilespmem:s18], [sflag:$0x2] =	stream.indirect.gather [hbm4b:s1+s16], $0x40, s28, s16, $0xb8;
	[tilespmem:$0x10800] =	vst v63  }
0x34: {  	p0 =	sne.s32 s26, $0x4800;
	_ =	swait.ge [sflag:s19], $0x2000  }
0x35: {  	[sflag:s19] =	ssyncset.done $0x0  }
0x36: {  	s26 =	sadd.s32 $0x1400, s25;
	[sflag:s19] =	ssyncadd.s32 $0xFFFFE000  }
0x37: {  	[spmem:s2] =	stream.indirect.scatter.add.f32 [tilespmem:s17], [sflag:$0x3], $0x40, s26, s16, $0xb8;
	[tilespmem:$0x10800] =	vst v63  }
0x38: {  	_ =	swait.ge [sflag:s14], $0x2000  }
0x39: {  	[sflag:s14] =	ssyncset.done $0x0  }
0x3a: {  	s26 =	sadd.s32 $0x100, s25;
	[sflag:s14] =	ssyncadd.s32 $0xFFFFE000  }
0x3b: {  	[tilespmem:s17], [sflag:$0x1] =	stream.indirect.gather [hbm4b:s1+s16], $0x40, s26, s16, $0xb8;
	[tilespmem:$0x10800] =	vst v63  }
0x3c: {  	_ =	swait.ge [sflag:s20], $0x2000  }
.Ltmp0:
0x3d: {  	[sflag:s20] =	ssyncset.done $0x0;
	(pc) =	sbr.rel @p0 .LBB2_2-.Ltmp0, $4  }
0x3e: {  	s25 =	sadd.s32 $0x1480, s25;
	[sflag:s20] =	ssyncadd.s32 $0xFFFFE000  }
0x3f: {  	[spmem:s2] =	stream.indirect.scatter.add.f32 [tilespmem:s18], [sflag:$0x3], $0x40, s25, s16, $0xb8;
	[tilespmem:$0x10800] =	vst v63  }
0x40: {  	_ =	swait.ge [sflag:s14], $0x2000  }
0x41: {  	s26 =	smov.u32 s30;
	s25 =	sshra.s32 s29, $0x2;
	[sflag:s14] =	ssyncset.done $0x0  }
0x42: {  	s26 =	sadd.s32 $0x80, s25;
	[sflag:s14] =	ssyncadd.s32 $0xFFFFE000  }
0x43: {  	[tilespmem:s18], [sflag:$0x2] =	stream.indirect.gather [hbm4b:s1+s16], $0x40, s26, s16, $0xb8;
	[tilespmem:$0x10800] =	vst v63  }
0x44: {  	_ =	swait.ge [sflag:s19], $0x2000  }
0x45: {  	[sflag:s19] =	ssyncset.done $0x0  }
0x46: {  	s29 =	sadd.s32 $0x1400, s25;
	[sflag:s19] =	ssyncadd.s32 $0xFFFFE000  }
0x47: {  	[spmem:s2] =	stream.indirect.scatter.add.f32 [tilespmem:s17], [sflag:$0x3], $0x40, s29, s16, $0xb8;
	[tilespmem:$0x10800] =	vst v63  }
0x48: {  	_ =	swait.ge [sflag:s14], $0x2000  }
0x49: {  	[sflag:s14] =	ssyncset.done $0x0  }
0x4a: {  	s30 =	sadd.s32 $0x100, s25;
	[sflag:s14] =	ssyncadd.s32 $0xFFFFE000  }
0x4b: {  	[tilespmem:s17], [sflag:$0x1] =	stream.indirect.gather [hbm4b:s1+s16], $0x40, s30, s16, $0xb8;
	[tilespmem:$0x10800] =	vst v63  }
0x4c: {  	_ =	swait.ge [sflag:s20], $0x2000  }
0x4d: {  	[sflag:s20] =	ssyncset.done $0x0  }
0x4e: {  	s31 =	sadd.s32 $0x1480, s25;
	[sflag:s20] =	ssyncadd.s32 $0xFFFFE000  }
0x4f: {  	[spmem:s2] =	stream.indirect.scatter.add.f32 [tilespmem:s18], [sflag:$0x3], $0x40, s31, s16, $0xb8;
	[tilespmem:$0x10800] =	vst v63  }
0x50: {  	_ =	swait.ge [sflag:s14], $0x2000  }
0x51: {  	[sflag:s14] =	ssyncset.done $0x0  }
0x52: {  	[sflag:s14] =	ssyncadd.s32 $0xFFFFE000  }
0x53: {  	[tilespmem:s18], [sflag:$0x2] =	stream.indirect.gather [hbm4b:s1+s16], $0x40, s21, s16, $0xb8;
	[tilespmem:$0x10800] =	vst v63  }
0x54: {  	_ =	swait.ge [sflag:s19], $0x2000  }
0x55: {  	[sflag:s19] =	ssyncset.done $0x0  }
0x56: {  	[sflag:s19] =	ssyncadd.s32 $0xFFFFE000  }
0x57: {  	[spmem:s2] =	stream.indirect.scatter.add.f32 [tilespmem:s17], [sflag:$0x3], $0x40, s22, s16, $0xb8;
	[tilespmem:$0x10800] =	vst v63  }
0x58: {  	_ =	swait.ge [sflag:s14], $0x2000  }
0x59: {  	[sflag:s14] =	ssyncset.done $0x0  }
0x5a: {  	[sflag:s14] =	ssyncadd.s32 $0xFFFFE000  }
0x5b: {  	_ =	swait.ge [sflag:s20], $0x2000  }
0x5c: {  	[sflag:s20] =	ssyncset.done $0x0  }
0x5d: {  	[sflag:s20] =	ssyncadd.s32 $0xFFFFE000  }
0x5e: {  	[spmem:s2] =	stream.indirect.scatter.add.f32 [tilespmem:s18], [sflag:$0x3], $0x40, s23, s16, $0xb8;
	[tilespmem:$0x10800] =	vst v63  }
0x5f: {  	_ =	swait.ge [sflag:s14], $0x2000  }
0x60: {  	[sflag:s14] =	ssyncset.done $0x0  }
0x61: {  	s26 =	simm.s32 $0x0;
	[sflag:s14] =	ssyncadd.s32 $0xFFFFE000  }
0x62: {  	[tilespmem:s26], [sflag:$0x3] =	stream.linear.gather [hbm4b:s9+s26], $0x1400, $0x38;
	[tilespmem:$0x10800] =	vst v63  }
0x63: {  	_ =	swait.ge [sflag:s14], $0x1400  }
0x64: {  	[sflag:s14] =	ssyncset.done $0x0  }
0x65: {  	[sflag:s14] =	ssyncadd.s32 $0xFFFFEC00  }
0x66: {  	[tilespmem:s15], [sflag:$0x3] =	stream.linear.gather [hbm4b:s10+s26], $0x1400, $0x38;
	[tilespmem:$0x10800] =	vst v63  }
0x67: {  	_ =	swait.ge [sflag:s14], $0x1400  }
0x68: {  	[sflag:s14] =	ssyncset.done $0x0  }
0x69: {  	[sflag:s14] =	ssyncadd.s32 $0xFFFFEC00  }
0x6a: {  	[tilespmem:s17], [sflag:$0x1] =	stream.indirect.gather [hbm4b:s1+s16], $0x40, s26, s16, $0xb8;
	[tilespmem:$0x10800] =	vst v63  }
0x6b: {  	s28 =	simm.s32 $0x80  }
0x6c: {  	[tilespmem:s18], [sflag:$0x2] =	stream.indirect.gather [hbm4b:s1+s16], $0x40, s28, s16, $0xb8;
	[tilespmem:$0x10800] =	vst v63  }
0x6d: {  	_ =	swait.ge [sflag:s19], $0x2000  }
0x6e: {  	[sflag:s19] =	ssyncset.done $0x0  }
0x6f: {  	s29 =	simm.s32 $0x1400;
	[sflag:s19] =	ssyncadd.s32 $0xFFFFE000  }
0x70: {  	[spmem:s2] =	stream.indirect.scatter.add.f32 [tilespmem:s17], [sflag:$0x3], $0x40, s29, s16, $0xb8;
	[tilespmem:$0x10800] =	vst v63  }
0x71: {  	_ =	swait.ge [sflag:s14], $0x2000  }
0x72: {  	[sflag:s14] =	ssyncset.done $0x0  }
0x73: {  	s30 =	simm.s32 $0x100;
	[sflag:s14] =	ssyncadd.s32 $0xFFFFE000  }
0x74: {  	[tilespmem:s17], [sflag:$0x1] =	stream.indirect.gather [hbm4b:s1+s16], $0x40, s30, s16, $0xb8;
	[tilespmem:$0x10800] =	vst v63  }
0x75: {  	_ =	swait.ge [sflag:s20], $0x2000  }
0x76: {  	[sflag:s20] =	ssyncset.done $0x0  }
0x77: {  	s31 =	simm.s32 $0x1480;
	[sflag:s20] =	ssyncadd.s32 $0xFFFFE000  }
0x78: {  	[spmem:s2] =	stream.indirect.scatter.add.f32 [tilespmem:s18], [sflag:$0x3], $0x40, s31, s16, $0xb8;
	[tilespmem:$0x10800] =	vst v63  }
0x79: {  	_ =	swait.ge [sflag:s14], $0x2000  }
0x7a: {  	s25 =	simm.s32 $0x100;
	s26 =	simm.s32 $0x800;
	[sflag:s14] =	ssyncset.done $0x0  }
.LBB2_4:
0x7b: {  	s28 =	sadd.s32 $0x80, s25  }
0x7c: {  	[sflag:s14] =	ssyncadd.s32 $0xFFFFE000;
	s29 =	smov.u32 s26;
	s30 =	sadd.s32 $0x400, s26  }
0x7d: {  	[tilespmem:s18], [sflag:$0x2] =	stream.indirect.gather [hbm4b:s1+s16], $0x40, s28, s16, $0xb8;
	[tilespmem:$0x10800] =	vst v63  }
0x7e: {  	p0 =	sne.s32 s26, $0x4800;
	_ =	swait.ge [sflag:s19], $0x2000  }
0x7f: {  	[sflag:s19] =	ssyncset.done $0x0  }
0x80: {  	s26 =	sadd.s32 $0x1400, s25;
	[sflag:s19] =	ssyncadd.s32 $0xFFFFE000  }
0x81: {  	[spmem:s2] =	stream.indirect.scatter.add.f32 [tilespmem:s17], [sflag:$0x3], $0x40, s26, s16, $0xb8;
	[tilespmem:$0x10800] =	vst v63  }
0x82: {  	_ =	swait.ge [sflag:s14], $0x2000  }
0x83: {  	[sflag:s14] =	ssyncset.done $0x0  }
0x84: {  	s26 =	sadd.s32 $0x100, s25;
	[sflag:s14] =	ssyncadd.s32 $0xFFFFE000  }
0x85: {  	[tilespmem:s17], [sflag:$0x1] =	stream.indirect.gather [hbm4b:s1+s16], $0x40, s26, s16, $0xb8;
	[tilespmem:$0x10800] =	vst v63  }
0x86: {  	_ =	swait.ge [sflag:s20], $0x2000  }
.Ltmp1:
0x87: {  	[sflag:s20] =	ssyncset.done $0x0;
	(pc) =	sbr.rel @p0 .LBB2_4-.Ltmp1, $4  }
0x88: {  	s25 =	sadd.s32 $0x1480, s25;
	[sflag:s20] =	ssyncadd.s32 $0xFFFFE000  }
0x89: {  	[spmem:s2] =	stream.indirect.scatter.add.f32 [tilespmem:s18], [sflag:$0x3], $0x40, s25, s16, $0xb8;
	[tilespmem:$0x10800] =	vst v63  }
0x8a: {  	_ =	swait.ge [sflag:s14], $0x2000  }
0x8b: {  	s26 =	smov.u32 s30;
	s25 =	sshra.s32 s29, $0x2;
	[sflag:s14] =	ssyncset.done $0x0  }
0x8c: {  	s26 =	sadd.s32 $0x80, s25;
	[sflag:s14] =	ssyncadd.s32 $0xFFFFE000  }
0x8d: {  	[tilespmem:s18], [sflag:$0x2] =	stream.indirect.gather [hbm4b:s1+s16], $0x40, s26, s16, $0xb8;
	[tilespmem:$0x10800] =	vst v63  }
0x8e: {  	_ =	swait.ge [sflag:s19], $0x2000  }
0x8f: {  	[sflag:s19] =	ssyncset.done $0x0  }
0x90: {  	s29 =	sadd.s32 $0x1400, s25;
	[sflag:s19] =	ssyncadd.s32 $0xFFFFE000  }
0x91: {  	[spmem:s2] =	stream.indirect.scatter.add.f32 [tilespmem:s17], [sflag:$0x3], $0x40, s29, s16, $0xb8;
	[tilespmem:$0x10800] =	vst v63  }
0x92: {  	_ =	swait.ge [sflag:s14], $0x2000  }
0x93: {  	[sflag:s14] =	ssyncset.done $0x0  }
0x94: {  	s30 =	sadd.s32 $0x100, s25;
	[sflag:s14] =	ssyncadd.s32 $0xFFFFE000  }
0x95: {  	[tilespmem:s17], [sflag:$0x1] =	stream.indirect.gather [hbm4b:s1+s16], $0x40, s30, s16, $0xb8;
	[tilespmem:$0x10800] =	vst v63  }
0x96: {  	_ =	swait.ge [sflag:s20], $0x2000  }
0x97: {  	[sflag:s20] =	ssyncset.done $0x0  }
0x98: {  	s31 =	sadd.s32 $0x1480, s25;
	[sflag:s20] =	ssyncadd.s32 $0xFFFFE000  }
0x99: {  	[spmem:s2] =	stream.indirect.scatter.add.f32 [tilespmem:s18], [sflag:$0x3], $0x40, s31, s16, $0xb8;
	[tilespmem:$0x10800] =	vst v63  }
0x9a: {  	_ =	swait.ge [sflag:s14], $0x2000  }
0x9b: {  	[sflag:s14] =	ssyncset.done $0x0  }
0x9c: {  	[sflag:s14] =	ssyncadd.s32 $0xFFFFE000  }
0x9d: {  	[tilespmem:s18], [sflag:$0x2] =	stream.indirect.gather [hbm4b:s1+s16], $0x40, s21, s16, $0xb8;
	[tilespmem:$0x10800] =	vst v63  }
0x9e: {  	_ =	swait.ge [sflag:s19], $0x2000  }
0x9f: {  	[sflag:s19] =	ssyncset.done $0x0  }
0xa0: {  	[sflag:s19] =	ssyncadd.s32 $0xFFFFE000  }
0xa1: {  	[spmem:s2] =	stream.indirect.scatter.add.f32 [tilespmem:s17], [sflag:$0x3], $0x40, s22, s16, $0xb8;
	[tilespmem:$0x10800] =	vst v63  }
0xa2: {  	_ =	swait.ge [sflag:s14], $0x2000  }
0xa3: {  	[sflag:s14] =	ssyncset.done $0x0  }
0xa4: {  	[sflag:s14] =	ssyncadd.s32 $0xFFFFE000  }
0xa5: {  	_ =	swait.ge [sflag:s20], $0x2000  }
0xa6: {  	[sflag:s20] =	ssyncset.done $0x0  }
0xa7: {  	[sflag:s20] =	ssyncadd.s32 $0xFFFFE000  }
0xa8: {  	[spmem:s2] =	stream.indirect.scatter.add.f32 [tilespmem:s18], [sflag:$0x3], $0x40, s23, s16, $0xb8;
	[tilespmem:$0x10800] =	vst v63  }
0xa9: {  	_ =	swait.ge [sflag:s14], $0x2000  }
0xaa: {  	s24 =	sadd.s32 $0x1, s24;
	[sflag:s14] =	ssyncset.done $0x0  }
0xab: {  	p0 =	sne.s32 s24, s12;
	[sflag:s14] =	ssyncadd.s32 $0xFFFFE000  }
.Ltmp2:
0xac: {  	[bflag:$0x0] =	sbarrier.arrive $0xFFFF;
	(pc) =	sbr.rel @p0 .LBB2_1-.Ltmp2, $4  }
0xad: {  	[hbm:s11], [sflag:s6] =	dma.local [spmem:s13], $0x1400  }
0xae: {  	_ =	swait.ge [sflag:s14], $0x1400  }
0xaf: {  	[sflag:s14] =	ssyncset.done $0x0  }
0xb0: {  	[sflag:s14] =	ssyncadd.s32 $0xFFFFEC00  }
0xb1: {  	_ =	sfence.sel $0x180000  }
0xb2: {  	[bflag:$0x0] =	sbarrier.arrive $0xFFFF  }
0xb3: {  	p0 =	sne.s32 s3, $0x0;
	_ =	strace $0x9000004D  }
0xb4: {  	s0 =	sadd.s32 @!p0 $0x100000, s0;
	[bflag:$0x2] =	sbarrier.arrive $0xFFFF  }
0xb5: {  	[sflag:s0] =	ssyncadd.tile.s32 @!p0 $0x1;
	_ =	shalt  }
.Lfunc_end2:
_tile_overlayer_lowered:
.L_overlay_start_2:
0xb6: {  	(tag) =	ssettag $0x2  }
0xb7: {  	s0 =	rddreg [dreg:$0x0];
	s2 =	stileid.u32  }
0xb8: {  	s1 =	rddreg [dreg:$0x1];
	p0 =	sne.s32 s2, $0x0  }
0xb9: {  	s3 =	rddreg [dreg:$0x2];
	[bflag:$0x3] =	sbarrier.arrive $0xFFFF;
	s2 =	simm.s32 @!p0 $0x1C03  }
0xba: {  	[timem:s3], [sflag:s2] =	dma.local @!p0 [hbm:s0], s1  }
0xbb: {  	s0 =	simm.s32 @!p0 $0x3  }
0xbc: {  	_ =	swait.ge @!p0 [sflag:s0], s1  }
0xbd: {  	s1 =	ssub.s32 @!p0 $0x0, s1;
	[sflag:s0] =	ssyncset.done @!p0 $0x0  }
0xbe: {  	[sflag:s0] =	ssyncadd.s32 @!p0 s1  }
0xbf: {  	[bflag:$0x3] =	sbarrier.arrive $0xFFFF  }
0xc0: {  	_ =	shalt  }

// kernel: kernel.8.cloned.1.call-start
scs
__scs_entry_jumppad:
0x0: {  	(pc) =	sbr.rel $0x88, $3  }
0x1: {  	(tag) =	ssettag $0x0;
	lr =	simm.s32 $0x1  }
0x2: {  	[smem:$0x3F9B] =	sst lr;
	_ =	strace $0xD0000000  }
0x3: {  	_ = 	snop  }
0x4: {  	_ = 	snop  }
0x5: {  	_ = 	snop  }
0x6: {  	_ = 	snop  }
0x7: {  	_ = 	snop  }
__scs_overlays_trampoline_lowered:
0x8: {  	[smem:$0x3FAA] =	sst s0  }
0x9: {  	[smem:$0x3FAB] =	sst s1  }
0xa: {  	[smem:$0x3FAC] =	sst s2  }
0xb: {  	[smem:$0x3FAD] =	sst s3  }
0xc: {  	[smem:$0x3FAE] =	sst s4  }
0xd: {  	[smem:$0x3FAF] =	sst s5  }
0xe: {  	[smem:$0x3FB0] =	sst s6  }
0xf: {  	[smem:$0x3FB1] =	sst s7  }
0x10: {  	[smem:$0x3FB2] =	sst s8  }
0x11: {  	[smem:$0x3FB3] =	sst s9;
	s0 =	simm.s32 @!p0 $0x0  }
0x12: {  	s1 =	sld [smem:$0x3F99];
	s0 =	simm.s32 @p0 $0x1  }
0x13: {  	[smem:$0x3FB4] =	sst s0;
	s0 =	simm.s32 @!p1 $0x0  }
0x14: {  	s2 =	sld [smem:$0x3F98];
	s0 =	simm.s32 @p1 $0x1  }
0x15: {  	[smem:$0x3FB5] =	sst s0;
	s0 =	simm.s32 @!p2 $0x0  }
0x16: {  	s3 =	sld [smem:$0x3FDB];
	s0 =	simm.s32 @p2 $0x1  }
0x17: {  	s4 =	simm.s32 $0x1BF5;
	[smem:$0x3FB7] =	sst s0  }
0x18: {  	s0 =	sld [smem:$0x3F9A];
	_ =	swait.ge [sflag:s4], $0x0  }
0x19: {  	s7 =	sld [smem:$0x3F9B]  }
0x1a: {  	s8 =	sadd.s32 $0xFFFFE003, lr  }
0x1b: {  	s9 =	sadd.s32 $0xFFFFFEF7, lr;
	s5 =	simm.s32 $0xFFFFFFFF;
	p2 =	slt.u32 s8, $0xFFFFF086  }
0x1c: {  	p1 =	slt.u32 s9, $0xF7A;
	s5 =	simm.s32 @!p2 $0x0  }
0x1d: {  	s5 =	simm.s32 @p1 $0x1;
	p0 =	seq.s32 s7, s2  }
0x1e: {  	s7 =	smul.u32 @!p0 $0xF7A, s2;
	p2 =	seq.s32 @!p0 s5, $0x0  }
0x1f: {  	s9 =	smul.u32 $0xF7A, s1;
	s8 =	simm.s32 @!p0 $0x1BF5;
	p2 =	por !p2, p0  }
0x20: {  	[sflag:s8] =	ssyncset.s32 @!p0 $0xFFFFF086;
	s6 =	sadd.s32 @!p0 s3, s7;
	s7 =	simm.s32 @!p0 $0x108  }
0x21: {  	s3 =	sadd.s32 s3, s9;
	s6 =	sadd.s32 @!p0 $0x88, s6;
	s7 =	simm.s32 @p2 $0x1082  }
0x22: {  	[simem:s7], [sflag:s8] =	dma.local @!p0 [hbm:s6], $0xF7A  }
0x23: {  	s9 =	sor.u32 $0xD0000000, s2;
	s6 =	simm.s32 $0x108;
	_ =	swait.ge @!p0 [sflag:s8], $0x0  }
0x24: {  	s3 =	sadd.s32 $0x88, s3;
	s6 =	simm.s32 @!p1 $0x1082;
	[sflag:s4] =	ssyncset.s32 $0xFFFFF086  }
0x25: {  	[simem:s6], [sflag:s4] =	dma.local [hbm:s3], $0xF7A  }
0x26: {  	[smem:$0x3F9B] =	sst s1;
	(tag) =	ssettag s2;
	_ =	strace s9  }
0x27: {  	s1 =	sld [smem:$0x3FAB]  }
0x28: {  	s2 =	sld [smem:$0x3FAC]  }
0x29: {  	s4 =	sld [smem:$0x3FAE]  }
0x2a: {  	p0 =	seq.s32 s5, $0x0;
	s5 =	sld [smem:$0x3FAF]  }
0x2b: {  	s6 =	sld [smem:$0x3FB0]  }
0x2c: {  	s7 =	sld [smem:$0x3FB1]  }
0x2d: {  	s3 =	simm.s32 $0x108;
	s8 =	sld [smem:$0x3FB2]  }
0x2e: {  	s3 =	simm.s32 @!p0 $0x1082;
	s9 =	sld [smem:$0x3FB3]  }
0x2f: {  	lr =	sadd.s32 s0, s3;
	s0 =	sld [smem:$0x3FAA]  }
0x30: {  	s3 =	sld [smem:$0x3FAD]  }
0x31: {  	[smem:$0x3FB6] =	sst s10  }
0x32: {  	s10 =	sld [smem:$0x3FB4];
	_ =	sdelay $0x3  }
0x33: {  	p0 =	seq.s32 s10, $0x1;
	s10 =	sld [smem:$0x3FB6];
	_ =	sdelay $0x3  }
0x34: {  	[smem:$0x3FB6] =	sst s10  }
0x35: {  	s10 =	sld [smem:$0x3FB5];
	_ =	sdelay $0x3  }
0x36: {  	p1 =	seq.s32 s10, $0x1;
	s10 =	sld [smem:$0x3FB6];
	_ =	sdelay $0x3  }
0x37: {  	[smem:$0x3FB6] =	sst s10  }
0x38: {  	s10 =	sld [smem:$0x3FB7]  }
0x39: {  	_ = 	snop;
	(pc) =	sbr.ind lr, $3  }
0x3a: {  	_ = 	snop  }
0x3b: {  	_ = 	snop  }
0x3c: {  	p2 =	seq.s32 s10, $0x1;
	s10 =	sld [smem:$0x3FB6]  }
0x3d: {  	_ =	shalt  }
0x3e: {  	_ =	shalt  }
0x3f: {  	_ =	shalt  }
0x40: {  	_ =	shalt  }
0x41: {  	_ =	shalt  }
0x42: {  	_ =	shalt  }
0x43: {  	_ =	shalt  }
0x44: {  	_ =	shalt  }
0x45: {  	_ =	shalt  }
0x46: {  	_ =	shalt  }
0x47: {  	_ =	shalt  }
0x48: {  	_ =	shalt  }
0x49: {  	_ =	shalt  }
0x4a: {  	_ =	shalt  }
0x4b: {  	_ =	shalt  }
0x4c: {  	_ =	shalt  }
0x4d: {  	_ =	shalt  }
0x4e: {  	_ =	shalt  }
0x4f: {  	_ =	shalt  }
0x50: {  	_ =	shalt  }
0x51: {  	_ =	shalt  }
0x52: {  	_ =	shalt  }
0x53: {  	_ =	shalt  }
0x54: {  	_ =	shalt  }
0x55: {  	_ =	shalt  }
0x56: {  	_ =	shalt  }
0x57: {  	_ =	shalt  }
0x58: {  	_ =	shalt  }
0x59: {  	_ =	shalt  }
0x5a: {  	_ =	shalt  }
0x5b: {  	_ =	shalt  }
0x5c: {  	_ =	shalt  }
0x5d: {  	_ =	shalt  }
0x5e: {  	_ =	shalt  }
0x5f: {  	_ =	shalt  }
0x60: {  	_ =	shalt  }
0x61: {  	_ =	shalt  }
0x62: {  	_ =	shalt  }
0x63: {  	_ =	shalt  }
0x64: {  	_ =	shalt  }
0x65: {  	_ =	shalt  }
0x66: {  	_ =	shalt  }
0x67: {  	_ =	shalt  }
0x68: {  	_ =	shalt  }
0x69: {  	_ =	shalt  }
0x6a: {  	_ =	shalt  }
0x6b: {  	_ =	shalt  }
0x6c: {  	_ =	shalt  }
0x6d: {  	_ =	shalt  }
0x6e: {  	_ =	shalt  }
0x6f: {  	_ =	shalt  }
0x70: {  	_ =	shalt  }
0x71: {  	_ =	shalt  }
0x72: {  	_ =	shalt  }
0x73: {  	_ =	shalt  }
0x74: {  	_ =	shalt  }
0x75: {  	_ =	shalt  }
0x76: {  	_ =	shalt  }
0x77: {  	_ =	shalt  }
0x78: {  	_ =	shalt  }
0x79: {  	_ =	shalt  }
0x7a: {  	_ =	shalt  }
0x7b: {  	_ =	shalt  }
0x7c: {  	_ =	shalt  }
0x7d: {  	_ =	shalt  }
0x7e: {  	_ =	shalt  }
0x7f: {  	_ =	shalt  }
0x80: {  	_ =	shalt  }
0x81: {  	_ =	shalt  }
0x82: {  	_ =	shalt  }
0x83: {  	_ =	shalt  }
0x84: {  	_ =	shalt  }
0x85: {  	_ =	shalt  }
0x86: {  	_ =	shalt  }
0x87: {  	_ =	shalt  }
.Lfunc_end0:
.L_simem_size_0:
called_computation_lowered:
.L_overlay_start_0:
0x88: {  	s2 =	sld [smem:$0x3FD9]  }
0x89: {  	s3 =	sld [smem:$0x3FFE];
	_ =	sdelay $0x1  }
0x8a: {  	s1 =	srdreg.scid  }
0x8b: {  	s0 =	sand.u32 $0x1, s1  }
0x8c: {  	s17 =	sshll.u32 s0, $0xA;
	s2 =	sadd.s32 s3, s2  }
0x8d: {  	s2 =	sadd.s32 s2, s17  }
0x8e: {  	[smem:$0x3FC2] =	sst s2  }
0x8f: {  	_ = 	snop  }
0x90: {  	s2 =	sld [smem:$0x3FD0];
	(tm) =	ssettm $0x1  }
0x91: {  	s18 =	sld [smem:$0x3FFB];
	_ =	sdelay $0x3  }
0x92: {  	_ =	strace s18  }
0x93: {  	s3 =	sld [smem:$0x3FFC];
	_ =	sdelay $0x3  }
0x94: {  	_ =	strace s3  }
0x95: {  	s3 =	sld [smem:$0x3FFD];
	_ =	sdelay $0x3  }
0x96: {  	_ =	strace s3  }
0x97: {  	_ =	strace $0x8FFFFFFF  }
0x98: {  	s19 =	sld [smem:$0x3FDB];
	_ =	sdelay $0x1  }
0x99: {  	s4 =	simm.s32 $_scs_section_size  }
0x9a: {  	s5 =	simm.s32 $_size__tile_overlayer_lowered;
	s6 =	simm.s32 $_tile_overlayer_lowered  }
0x9b: {  	s22 =	simm.s32 $0x1BFF;
	s21 =	sshll.u32 s6, $0x1;
	s3 =	sadd.s32 s4, s19  }
0x9c: {  	s7 =	simm.s32 $0x0;
	s20 =	sshll.u32 s5, $0x1;
	s5 =	sadd.s32 s21, s3  }
0x9d: {  	[timem:s7], [sflag:s22] =	dma.local [hbm:s5], s20  }
0x9e: {  	_ =	swait.ge [sflag:s22], s20  }
0x9f: {  	s4 =	ssub.s32 $0x0, s20;
	[sflag:s22] =	ssyncset.done $0x0  }
0xa0: {  	[sflag:s22] =	ssyncadd.s32 s4;
	_ =	sdelay $0x1  }
0xa1: {  	s23 =	simm.s32 $0x1B8B  }
0xa2: {  	_ =	swait.ge [sflag:s23], $0x1  }
0xa3: {  	[sflag:s23] =	ssyncset.done $0x0  }
0xa4: {  	s25 =	simm.s32 $0x1B8E;
	s24 =	sld [smem:$0x3FFE];
	[sflag:s23] =	ssyncadd.s32 $0xFFFFFFFF  }
0xa5: {  	s26 =	simm.s32 $execute0_lowered;
	[smem:$0x3FD2] =	sst s25  }
0xa6: {  	s5 =	sshll.u32 s26, $0x1;
	_ =	strace $0x80000046;
	[dreg:$0x1] =	wrdreg $0xFFFFFFFF  }
0xa7: {  	s28 =	simm.s32 $_size_execute0_lowered;
	s3 =	sadd.s32 s3, s5;
	[dreg:$0x0] =	wrdreg $0x0  }
0xa8: {  	s5 =	sshll.u32 s28, $0x1;
	[dreg:$0x2] =	wrdreg s3  }
0xa9: {  	[dreg:$0x3] =	wrdreg s5  }
0xaa: {  	[dreg:$0x4] =	wrdreg $0xC0  }
0xab: {  	_ =	task [dreg:s7], $0x5FFFF  }
0xac: {  	[dreg:$0x1] =	wrdreg $0xFFFFFFFF  }
0xad: {  	[dreg:$0x0] =	wrdreg $0x60  }
0xae: {  	[dreg:$0x2] =	wrdreg s24  }
0xaf: {  	[dreg:$0x3] =	wrdreg s2  }
0xb0: {  	[dreg:$0x4] =	wrdreg $0x28800  }
0xb1: {  	[dreg:$0x5] =	wrdreg $0x9  }
0xb2: {  	_ =	task.clear_ibuf [dreg:s7], $0x6FFFF;
	_ =	strace $0x90000046  }
0xb3: {  	s29 =	simm.s32 $0x9;
	_ =	strace $0x80000048  }
0xb4: {  	_ =	swait.ge [sflag:s29], $0x1  }
0xb5: {  	[sflag:s29] =	ssyncadd.s32 $0xFFFFFFFF  }
0xb6: {  	_ =	strace $0x90000048  }
0xb7: {  	_ =	sfence  }
0xb8: {  	s30 =	sld [smem:$0x0];
	_ =	sdelay $0x2  }
0xb9: {  	s31 =	sshll.u32 s1, $0xD;
	s1 =	sshrl.u32 s1, $0x2  }
0xba: {  	s3 =	sand.u32 $0x4000, s31;
	s1 =	sadd.s32 s1, s30  }
0xbb: {  	s0 =	sor.u32 s3, s0;
	s1 =	sshll.u32 s1, $0x11  }
0xbc: {  	s0 =	sor.u32 s1, s0  }
0xbd: {  	s0 =	sadd.s32 $0x8F2B, s0  }
0xbe: {  	[sflag:s0] =	ssyncadd.remote.s32 $0x1  }
0xbf: {  	_ =	sfence.sel $0xFFFF  }
0xc0: {  	[dreg:$0x0] =	wrdreg $0xFFFFFFFF;
	(pc) =	sbr.abs _section_cstart, $3  }
0xc1: {  	[dreg:$0x1] =	wrdreg $0xFFFFFFFF  }
0xc2: {  	_ =	task.clear_ibuf [dreg:s7], $0x2FFFF;
	_ =	strace $0x9FFFFFFF  }
0xc3: {  	(tm) =	ssettm $0x7FFFFFFF  }
tec
execute0_lowered:
.L_overlay_start_1:
0x0: {  	(tag) =	ssettag $0x1  }
0x1: {  	s5 =	rddreg [dreg:$0x0]  }
0x2: {  	s0 =	srdreg.scid;
	s8 =	rddreg [dreg:$0x1]  }
0x3: {  	s2 =	rddreg [dreg:$0x2];
	s1 =	stileid.u32  }
0x4: {  	s3 =	simm.s32 $0x0;
	s13 =	simm.s32 $0x80;
	s14 =	simm.s32 $0x1  }
0x5: {  	s15 =	simm.s32 $0x0;
	s4 =	sand.u32 $0x1, s0;
	s0 =	rddreg [dreg:$0x3]  }
0x6: {  	[smem:$0x7FF] =	sst s3;
	s7 =	smul.u32 $0x280, s1;
	s31 =	sshll.u32 s1, $0x6  }
0x7: {  	s6 =	sshll.u32 s4, $0x4;
	_ =	strace $0x80000047;
	s10 =	smul.u32 $0x2800, s4  }
0x8: {  	s30 =	ssub.s32 $0x2, s4;
	s4 =	sadd.s32 $0xC600, s5;
	s6 =	sor.u32 s1, s6  }
0x9: {  	s11 =	sshrl.u32 s30, $0x1;
	s6 =	smul.u32 $0x500, s6;
	s10 =	sadd.s32 s7, s10  }
0xa: {  	s12 =	sadd.s32 s7, s2;
	s11 =	ssub.s32 s30, s11;
	s10 =	sshrl.u32 s10, $0x3  }
0xb: {  	s9 =	sadd.s32 s6, s5;
	s5 =	sadd.s32 $0xC400, s5;
	s6 =	sor.u32 $0x1C02, s31  }
0xc: {  	s8 =	sadd.s32 s8, s10;
	s10 =	sshrl.u32 s12, $0x3;
	s12 =	simm.s32 $0x2800  }
0xd: {  	s7 =	sadd.s32 $0x2400, s9;
	s9 =	smax.u32 s11, $0x1;
	s11 =	simm.s32 $0x2  }
.LBB2_1:
0xe: {  	[spmem:s10], [sflag:s6] =	dma.local [hbm:s4], $0x50  }
0xf: {  	_ =	swait.ge [sflag:s11], $0x50  }
0x10: {  	[sflag:s11] =	ssyncset.done $0x0  }
0x11: {  	[sflag:s11] =	ssyncadd.s32 $0xFFFFFFB0  }
0x12: {  	[tilespmem:s3], [sflag:$0x2] =	stream.linear.gather [hbm4b:s7+s3], $0x2800, $0x38;
	[tilespmem:$0x2B00] =	vst v63  }
0x13: {  	_ =	swait.ge [sflag:s11], $0x2800  }
0x14: {  	[sflag:s11] =	ssyncset.done $0x0  }
0x15: {  	[sflag:s11] =	ssyncadd.s32 $0xFFFFD800  }
0x16: {  	[tilespmem:s12], [sflag:$0x2] =	stream.linear.gather [hbm4b:s5+s3], $0x80, $0x38;
	[tilespmem:$0x2B00] =	vst v63  }
0x17: {  	_ =	swait.ge [sflag:s11], $0x80  }
0x18: {  	[sflag:s11] =	ssyncset.done $0x0  }
0x19: {  	[sflag:s11] =	ssyncadd.s32 $0xFFFFFF80  }
0x1a: {  	s16 =	simm.s32 $0x0;
	[bflag:$0x0] =	sbarrier.arrive $0xFFFF  }
.LBB2_2:
0x1b: {  	p0 =	sne.s32 s16, $0x9E00  }
.Ltmp0:
0x1c: {  	_ = 	snop;
	(pc) =	sbr.rel @p0 .LBB2_2-.Ltmp0, $3  }
0x1d: {  	_ =	sdelay $0x1  }
0x1e: {  	s17 =	sshra.s32 s16, $0x2;
	s16 =	sadd.s32 $0x200, s16  }
0x1f: {  	[spmem:s2] =	stream.indirect.scatter.add.f32 [tilespmem:s12], [sflag:$0x1], $0x1, s17, s13, $0xb8;
	[tilespmem:$0x2B00] =	vst v63  }
0x20: {  	_ =	swait.ge [sflag:s14], $0x80  }
0x21: {  	s16 =	simm.s32 $0x4F;
	[sflag:s14] =	ssyncset.done $0x0  }
.LBB2_4:
0x22: {  	p0 =	sne.s32 s16, $0x1;
	s16 =	sadd.s32 $0xFFFFFFFF, s16;
	[sflag:s14] =	ssyncadd.s32 $0xFFFFFF80  }
.Ltmp1:
0x23: {  	(pc) =	sbr.rel @p0 .LBB2_4-.Ltmp1, $3  }
0x24: {  	_ =	sdelay $0x1  }
0x25: {  	_ =	swait.ge [sflag:s14], $0x80  }
0x26: {  	[sflag:s14] =	ssyncset.done $0x0  }
0x27: {  	s15 =	sadd.s32 $0x1, s15  }
0x28: {  	[sflag:s14] =	ssyncadd.s32 $0xFFFFFF80;
	p0 =	sne.s32 s15, s9  }
.Ltmp2:
0x29: {  	[bflag:$0x0] =	sbarrier.arrive $0xFFFF;
	(pc) =	sbr.rel @p0 .LBB2_1-.Ltmp2, $4  }
0x2a: {  	[hbm:s8], [sflag:s6] =	dma.local [spmem:s10], $0x50  }
0x2b: {  	_ =	swait.ge [sflag:s11], $0x50  }
0x2c: {  	[sflag:s11] =	ssyncset.done $0x0  }
0x2d: {  	[sflag:s11] =	ssyncadd.s32 $0xFFFFFFB0  }
0x2e: {  	_ =	sfence.sel $0x180000  }
0x2f: {  	[bflag:$0x0] =	sbarrier.arrive $0xFFFF  }
0x30: {  	p0 =	sne.s32 s1, $0x0;
	_ =	strace $0x90000047  }
0x31: {  	s0 =	sadd.s32 @!p0 $0x100000, s0;
	[bflag:$0x2] =	sbarrier.arrive $0xFFFF  }
0x32: {  	[sflag:s0] =	ssyncadd.tile.s32 @!p0 $0x1;
	_ =	shalt  }
.Lfunc_end2:
_tile_overlayer_lowered:
.L_overlay_start_2:
0x33: {  	(tag) =	ssettag $0x2  }
0x34: {  	s0 =	rddreg [dreg:$0x0];
	s2 =	stileid.u32  }
0x35: {  	s1 =	rddreg [dreg:$0x1];
	p0 =	sne.s32 s2, $0x0  }
0x36: {  	s3 =	rddreg [dreg:$0x2];
	[bflag:$0x3] =	sbarrier.arrive $0xFFFF;
	s2 =	simm.s32 @!p0 $0x1C02  }
0x37: {  	[timem:s3], [sflag:s2] =	dma.local @!p0 [hbm:s0], s1  }
0x38: {  	s0 =	simm.s32 @!p0 $0x2  }
0x39: {  	_ =	swait.ge @!p0 [sflag:s0], s1  }
0x3a: {  	s1 =	ssub.s32 @!p0 $0x0, s1;
	[sflag:s0] =	ssyncset.done @!p0 $0x0  }
0x3b: {  	[sflag:s0] =	ssyncadd.s32 @!p0 s1  }
0x3c: {  	[bflag:$0x3] =	sbarrier.arrive $0xFFFF  }
0x3d: {  	_ =	shalt  }

</sc_bundles>
